<compile_context>
chip_gen: v7x
topology: tpu7x:2x2x1
jax: 0.10.2.dev20260603
libtpu: 0.0.44.dev20260713+nightly
codegen_flags: <defaults>
</compile_context>

<pallas_src>
import jax
import jax.numpy as jnp
import numpy as np
from jax import lax
from jax.experimental import pallas as pl
from jax.experimental.pallas import tpu as pltpu

_SIZES = (128.0, 256.0, 512.0)
_RATIOS = (0.5, 1.0, 2.0)
_PRE_NMS = 6000
_POST_NMS = 1000
_NMS_THRESH = 0.7
_MIN_SIZE = 1.0
_LIM = float(np.log(1000.0 / 16.0))

_N_PAD = 6144
_N_CHUNKS = 48
_C = 128


def _conv2d(x, w, b, pad):
    y = lax.conv_general_dilated(
        x, w, window_strides=(1, 1), padding=[(pad, pad), (pad, pad)],
        dimension_numbers=('NCHW', 'OIHW', 'NCHW'))
    return y + b[None, :, None, None]


def _decode(delta, boxes):
    dx = delta[:, 0]
    dy = delta[:, 1]
    dw = jnp.minimum(delta[:, 2], _LIM)
    dh = jnp.minimum(delta[:, 3], _LIM)
    w = boxes[:, 2] - boxes[:, 0]
    h = boxes[:, 3] - boxes[:, 1]
    cx = boxes[:, 0] + 0.5 * w
    cy = boxes[:, 1] + 0.5 * h
    pcx = dx * w + cx
    pcy = dy * h + cy
    pw = jnp.exp(dw) * w
    ph = jnp.exp(dh) * h
    return jnp.stack([pcx - 0.5 * pw, pcy - 0.5 * ph,
                      pcx + 0.5 * pw, pcy + 0.5 * ph], axis=1)


def _make_anchors(fh, fw, stride_y, stride_x):
    sizes = jnp.array(_SIZES, dtype=jnp.float32)
    ratios = jnp.array(_RATIOS, dtype=jnp.float32)
    hr = jnp.sqrt(ratios)
    wr = 1.0 / hr
    ws = (wr[:, None] * sizes[None, :]).reshape(-1)
    hs = (hr[:, None] * sizes[None, :]).reshape(-1)
    base = jnp.stack([-ws, -hs, ws, hs], axis=1) / 2.0
    shift_x = jnp.arange(fw, dtype=jnp.float32) * stride_x
    shift_y = jnp.arange(fh, dtype=jnp.float32) * stride_y
    yy, xx = jnp.meshgrid(shift_y, shift_x, indexing='ij')
    xs = xx.reshape(-1)
    ys = yy.reshape(-1)
    shifts = jnp.stack([xs, ys, xs, ys], axis=1)
    return (shifts[:, None, :] + base[None, :, :]).reshape(-1, 4)


def _nms_kernel(box_ref, v_ref, kept_ref,
                alive_ref, alivec_ref, mc_ref, m_ref, area_ref,
                cnt_ref, conv_ref):
    f32 = jnp.float32
    x1 = box_ref[0]
    y1 = box_ref[1]
    x2 = box_ref[2]
    y2 = box_ref[3]
    gidx = (lax.broadcasted_iota(jnp.int32, (_N_CHUNKS, _C), 0) * _C
            + lax.broadcasted_iota(jnp.int32, (_N_CHUNKS, _C), 1))
    valid = jnp.where(gidx >= _PRE_NMS, 0.0, v_ref[...]).astype(f32)
    area = (x2 - x1) * (y2 - y1)
    area_ref[...] = area

    alive_ref[...] = valid
    kept_ref[...] = jnp.zeros((_N_CHUNKS, _C), f32)
    cnt_ref[0, 0] = 0

    eye = (lax.broadcasted_iota(jnp.int32, (_C, _C), 0)
           == lax.broadcasted_iota(jnp.int32, (_C, _C), 1)).astype(f32)

    def col(row_2d):
        return lax.dot_general(eye, row_2d, (((1,), (1,)), ((), ())),
                               precision=lax.Precision.HIGHEST,
                               preferred_element_type=f32)

    x1r = x1[None]
    y1r = y1[None]
    x2r = x2[None]
    y2r = y2[None]
    arear = area[None]
    gj = gidx[None]

    def chunk_body(k, _):
        @pl.when(cnt_ref[0, 0] < _POST_NMS)
        def _():
            cx1 = col(box_ref[0, pl.ds(k, 1), :]).reshape(_C, 1, 1)
            cy1 = col(box_ref[1, pl.ds(k, 1), :]).reshape(_C, 1, 1)
            cx2 = col(box_ref[2, pl.ds(k, 1), :]).reshape(_C, 1, 1)
            cy2 = col(box_ref[3, pl.ds(k, 1), :]).reshape(_C, 1, 1)
            ca = col(area_ref[pl.ds(k, 1), :]).reshape(_C, 1, 1)
            ltx = jnp.maximum(cx1, x1r)
            lty = jnp.maximum(cy1, y1r)
            rbx = jnp.minimum(cx2, x2r)
            rby = jnp.minimum(cy2, y2r)
            iw = jnp.clip(rbx - ltx, 0.0)
            ih = jnp.clip(rby - lty, 0.0)
            inter = iw * ih
            iou = inter / (ca + arear - inter)
            gi = (k * _C + lax.broadcasted_iota(jnp.int32, (_C, 1, 1), 0))
            m = jnp.where((iou > _NMS_THRESH) & (gj > gi), 1.0, 0.0).astype(f32)
            m_ref[...] = m
            mc_ref[...] = m_ref[:, pl.ds(k, 1), :]

            alivec_ref[...] = alive_ref[pl.ds(k, 1), :]
            conv_ref[0, 0] = 0
            valid_c = alive_ref[pl.ds(k, 1), :]

            def fix_body(_, __):
                @pl.when(conv_ref[0, 0] == 0)
                def _():
                    ac = alivec_ref[...]
                    acol = col(ac).reshape(_C, 1, 1)
                    killed = jnp.max(acol * mc_ref[...], axis=0)
                    new = valid_c * (1.0 - killed)
                    changed = jnp.sum(jnp.abs(new - ac))
                    alivec_ref[...] = new
                    @pl.when(changed == 0.0)
                    def _():
                        conv_ref[0, 0] = 1
                return 0

            lax.fori_loop(0, _C, fix_body, 0)

            keptc = alivec_ref[...]
            kept_ref[pl.ds(k, 1), :] = keptc
            cnt_ref[0, 0] = cnt_ref[0, 0] + jnp.sum(keptc).astype(jnp.int32)
            kcol = col(keptc).reshape(_C, 1, 1)
            killed_all = jnp.max(kcol * m_ref[...], axis=0)
            alive_ref[...] = alive_ref[...] * (1.0 - killed_all)
        return 0

    lax.fori_loop(0, _N_CHUNKS, chunk_body, 0)


def _run_nms(box_planes, valid_planes):
    return pl.pallas_call(
        _nms_kernel,
        out_shape=jax.ShapeDtypeStruct((_N_CHUNKS, _C), jnp.float32),
        scratch_shapes=[
            pltpu.VMEM((_N_CHUNKS, _C), jnp.float32),
            pltpu.VMEM((1, _C), jnp.float32),
            pltpu.VMEM((_C, 1, _C), jnp.float32),
            pltpu.VMEM((_C, _N_CHUNKS, _C), jnp.float32),
            pltpu.VMEM((_N_CHUNKS, _C), jnp.float32),
            pltpu.SMEM((1, 1), jnp.int32),
            pltpu.SMEM((1, 1), jnp.int32),
        ],
    )(box_planes, valid_planes)


def kernel(feature, image_shape, W1, b1, Wc, bc, Wb, bb):
    img_h = image_shape[0].astype(jnp.float32)
    img_w = image_shape[1].astype(jnp.float32)
    fh, fw = feature.shape[2], feature.shape[3]

    t = jax.nn.relu(_conv2d(feature, W1, b1, 1))
    cls = _conv2d(t, Wc, bc, 0)
    delta = _conv2d(t, Wb, bb, 0)
    cls = jnp.transpose(cls, (0, 2, 3, 1)).reshape(-1)
    delta = jnp.transpose(delta, (0, 2, 3, 1)).reshape(-1, 4)
    anchors = _make_anchors(fh, fw, img_h / fh, img_w / fw)
    _, top_idx = lax.top_k(cls, _PRE_NMS)
    prop = _decode(delta[top_idx], anchors[top_idx])
    x1 = jnp.clip(prop[:, 0], 0.0, img_w)
    y1 = jnp.clip(prop[:, 1], 0.0, img_h)
    x2 = jnp.clip(prop[:, 2], 0.0, img_w)
    y2 = jnp.clip(prop[:, 3], 0.0, img_h)
    prop = jnp.stack([x1, y1, x2, y2], axis=1)
    small = ((x2 - x1) < _MIN_SIZE) | ((y2 - y1) < _MIN_SIZE)
    validf = jnp.where(small, 0.0, 1.0).astype(jnp.float32)

    pad = _N_PAD - _PRE_NMS
    boxes = jnp.pad(prop, ((0, pad), (0, 0)))
    box_planes = boxes.T.reshape(4, _N_CHUNKS, _C)
    valid_planes = jnp.pad(validf, (0, pad)).reshape(_N_CHUNKS, _C)

    kept = _run_nms(box_planes, valid_planes)

    keep = kept.reshape(-1)
    pos = jnp.cumsum(keep).astype(jnp.int32) - 1
    take = (keep > 0.5) & (pos < _POST_NMS)
    tgt = jnp.where(take, pos, _POST_NMS)
    out = jnp.zeros((_POST_NMS, 4), jnp.float32).at[tgt].set(boxes, mode='drop')
    return out

# --- scband reference (transcript-rebuilt; emitter-appended) ---
"""Pipeline reference for scband-region-proposal-network-26731876451105 (READ-ONLY COPY).

The authoritative reference and input builder live on the scoring server;
editing this copy changes nothing except your own understanding.
"""

import jax, jax.numpy as jnp
import numpy as np

SIZES = (128.0, 256.0, 512.0)
RATIOS = (0.5, 1.0, 2.0)
PRE_NMS = 6000
POST_NMS = 1000
NMS_THRESH = 0.7
MIN_SIZE = 1.0
REG_WEIGHTS = (1.0, 1.0, 1.0, 1.0)


def conv2d(x, w, b, pad):
    y = jax.lax.conv_general_dilated(x, w, window_strides=(1, 1), padding=[(pad, pad), (pad, pad)], dimension_numbers=('NCHW', 'OIHW', 'NCHW'))
    return y + b[None, :, None, None]


def make_anchors(fh, fw, stride_y, stride_x):
    sizes = jnp.array(SIZES, dtype=jnp.float32)
    ratios = jnp.array(RATIOS, dtype=jnp.float32)
    hr = jnp.sqrt(ratios)
    wr = 1.0 / hr
    ws = (wr[:, None] * sizes[None, :]).reshape(-1)
    hs = (hr[:, None] * sizes[None, :]).reshape(-1)
    base = jnp.stack([-ws, -hs, ws, hs], axis=1) / 2.0  # [A,4]
    shift_x = jnp.arange(fw, dtype=jnp.float32) * stride_x
    shift_y = jnp.arange(fh, dtype=jnp.float32) * stride_y
    yy, xx = jnp.meshgrid(shift_y, shift_x, indexing='ij')
    xs = xx.reshape(-1)
    ys = yy.reshape(-1)
    shifts = jnp.stack([xs, ys, xs, ys], axis=1)  # [HW,4]
    return (shifts[:, None, :] + base[None, :, :]).reshape(-1, 4)  # [HW*A,4] location-major


def decode(delta, boxes):
    wx, wy, ww, wh = REG_WEIGHTS
    dx = delta[:, 0] / wx
    dy = delta[:, 1] / wy
    dw = delta[:, 2] / ww
    dh = delta[:, 3] / wh
    lim = float(np.log(1000.0 / 16.0))
    dw = jnp.minimum(dw, lim)
    dh = jnp.minimum(dh, lim)
    w = boxes[:, 2] - boxes[:, 0]
    h = boxes[:, 3] - boxes[:, 1]
    cx = boxes[:, 0] + 0.5 * w
    cy = boxes[:, 1] + 0.5 * h
    pcx = dx * w + cx
    pcy = dy * h + cy
    pw = jnp.exp(dw) * w
    ph = jnp.exp(dh) * h
    return jnp.stack([pcx - 0.5 * pw, pcy - 0.5 * ph, pcx + 0.5 * pw, pcy + 0.5 * ph], axis=1)


def iou_one(box, boxes):
    lt = jnp.maximum(box[:2], boxes[:, :2])
    rb = jnp.minimum(box[2:], boxes[:, 2:])
    wh = jnp.clip(rb - lt, 0.0)
    inter = wh[:, 0] * wh[:, 1]
    a1 = (box[2] - box[0]) * (box[3] - box[1])
    a2 = (boxes[:, 2] - boxes[:, 0]) * (boxes[:, 3] - boxes[:, 1])
    return inter / (a1 + a2 - inter)


def nms_fixed(boxes, scores):
    n = scores.shape[0]
    ar = jnp.arange(n)

    def body(i, st):
        s, keep, valid = st
        idx = jnp.argmax(s)
        ok = s[idx] > -jnp.inf
        keep = keep.at[i].set(idx.astype(jnp.int32))
        valid = valid.at[i].set(ok)
        ious = iou_one(boxes[idx], boxes)
        s = jnp.where((ious > NMS_THRESH) | (ar == idx), -jnp.inf, s)
        return (s, keep, valid)

    init = (scores, jnp.zeros((POST_NMS,), jnp.int32), jnp.zeros((POST_NMS,), bool))
    _, keep, valid = jax.lax.fori_loop(0, POST_NMS, body, init)
    return keep, valid


def setup_inputs(seed: int = 0) -> dict:
    key = jax.random.key(seed)
    ks = jax.random.split(key, 6)
    feature = jax.random.normal(ks[0], (1, 256, 64, 64), dtype=jnp.float32)
    W1 = jax.random.normal(ks[1], (256, 256, 3, 3), dtype=jnp.float32) * 0.01
    b1 = jnp.zeros((256,), jnp.float32)
    Wc = jax.random.normal(ks[2], (9, 256, 1, 1), dtype=jnp.float32) * 0.01
    bc = jnp.zeros((9,), jnp.float32)
    Wb = jax.random.normal(ks[3], (36, 256, 1, 1), dtype=jnp.float32) * 0.01
    bb = jnp.zeros((36,), jnp.float32)
    image_shape = jnp.array([1024, 1024], dtype=jnp.int32)
    return {"feature": feature, "image_shape": image_shape, "W1": W1, "b1": b1, "Wc": Wc, "bc": bc, "Wb": Wb, "bb": bb}


def reference(feature, image_shape, W1, b1, Wc, bc, Wb, bb):
    img_h = image_shape[0].astype(jnp.float32)
    img_w = image_shape[1].astype(jnp.float32)
    fh, fw = feature.shape[2], feature.shape[3]
    # RPN head: 3x3 conv + relu, 1x1 cls conv, 1x1 bbox conv
    t = jax.nn.relu(conv2d(feature, W1, b1, 1))
    cls = conv2d(t, Wc, bc, 0)
    delta = conv2d(t, Wb, bb, 0)
    # classifier.permute(0,2,3,1).flatten(); delta.permute(0,2,3,1).reshape(-1,4)
    cls = jnp.transpose(cls, (0, 2, 3, 1)).reshape(-1)
    delta = jnp.transpose(delta, (0, 2, 3, 1)).reshape(-1, 4)
    anchors = make_anchors(fh, fw, img_h / fh, img_w / fw)
    # create_proposal (testing path): topk on raw logits
    pre = min(cls.shape[0], PRE_NMS)
    scores, top_idx = jax.lax.top_k(cls, pre)
    prop = decode(delta[top_idx], anchors[top_idx])
    # process_box: clip to image, remove boxes smaller than min_size
    x1 = jnp.clip(prop[:, 0], 0.0, img_w)
    y1 = jnp.clip(prop[:, 1], 0.0, img_h)
    x2 = jnp.clip(prop[:, 2], 0.0, img_w)
    y2 = jnp.clip(prop[:, 3], 0.0, img_h)
    prop = jnp.stack([x1, y1, x2, y2], axis=1)
    small = ((x2 - x1) < MIN_SIZE) | ((y2 - y1) < MIN_SIZE)
    scores = jnp.where(small, -jnp.inf, scores)
    keep, valid = nms_fixed(prop, scores)
    out = jnp.where(valid[:, None], prop[keep], 0.0)
    return out

if __name__ == "__main__":
    import jax
    _d = setup_inputs()
    print(jax.jit(kernel)(*tuple(_d.values())))

</pallas_src>

<mosaic_0001>
module attributes {stable_mosaic.version = 14 : i64} {
  func.func @_nms_kernel(%arg0: memref<4x48x128xf32, #tpu.memory_space<vmem>>, %arg1: memref<48x128xf32, #tpu.memory_space<vmem>>, %arg2: memref<48x128xf32, #tpu.memory_space<vmem>>, %arg3: memref<48x128xf32, #tpu.memory_space<vmem>>, %arg4: memref<1x128xf32, #tpu.memory_space<vmem>>, %arg5: memref<128x1x128xf32, #tpu.memory_space<vmem>>, %arg6: memref<128x48x128xf32, #tpu.memory_space<vmem>>, %arg7: memref<48x128xf32, #tpu.memory_space<vmem>>, %arg8: memref<1x1xi32, #tpu.memory_space<smem>>, %arg9: memref<1x1xi32, #tpu.memory_space<smem>>) attributes {dimension_semantics = [], scalar_prefetch = 0 : i64, scratch_operands = 7 : i64, tpu.core_type = #tpu.core_type<tc>} {
    %get3A = arith.constant 0 : index
    %get3A_0 = arith.constant 0 : index
    %get3A_1 = arith.constant 0 : index
    %get3A_2 = vector.load %arg0[%get3A, %get3A_0, %get3A_1] : memref<4x48x128xf32, #tpu.memory_space<vmem>>, vector<1x48x128xf32>
    %get3A_3 = vector.shape_cast %get3A_2 : vector<1x48x128xf32> to vector<48x128xf32>
    %get3A_4 = arith.constant 1 : index
    %get3A_5 = arith.constant 0 : index
    %get3A_6 = arith.constant 0 : index
    %get3A_7 = vector.load %arg0[%get3A_4, %get3A_5, %get3A_6] : memref<4x48x128xf32, #tpu.memory_space<vmem>>, vector<1x48x128xf32>
    %get3A_8 = vector.shape_cast %get3A_7 : vector<1x48x128xf32> to vector<48x128xf32>
    %get3A_9 = arith.constant 2 : index
    %get3A_10 = arith.constant 0 : index
    %get3A_11 = arith.constant 0 : index
    %get3A_12 = vector.load %arg0[%get3A_9, %get3A_10, %get3A_11] : memref<4x48x128xf32, #tpu.memory_space<vmem>>, vector<1x48x128xf32>
    %get3A_13 = vector.shape_cast %get3A_12 : vector<1x48x128xf32> to vector<48x128xf32>
    %get3A_14 = arith.constant 3 : index
    %get3A_15 = arith.constant 0 : index
    %get3A_16 = arith.constant 0 : index
    %get3A_17 = vector.load %arg0[%get3A_14, %get3A_15, %get3A_16] : memref<4x48x128xf32, #tpu.memory_space<vmem>>, vector<1x48x128xf32>
    %get3A_18 = vector.shape_cast %get3A_17 : vector<1x48x128xf32> to vector<48x128xf32>
    %iota3A = tpu.iota {dimensions = array<i32: 0>} : vector<48x128xi32>
    %mul3A = arith.constant 128 : i32
    %mul3A_19 = vector.broadcast %mul3A : i32 to vector<48x128xi32>
    %mul3A_20 = arith.muli %iota3A, %mul3A_19 : vector<48x128xi32>
    %iota3A_21 = tpu.iota {dimensions = array<i32: 1>} : vector<48x128xi32>
    %add3A = arith.addi %mul3A_20, %iota3A_21 : vector<48x128xi32>
    %ge3A = arith.constant 6000 : i32
    %ge3A_22 = vector.broadcast %ge3A : i32 to vector<48x128xi32>
    %ge3A_23 = arith.cmpi sge, %add3A, %ge3A_22 : vector<48x128xi32>
    %get3A_24 = arith.constant 0 : index
    %get3A_25 = arith.constant 0 : index
    %get3A_26 = vector.load %arg1[%get3A_24, %get3A_25] : memref<48x128xf32, #tpu.memory_space<vmem>>, vector<48x128xf32>
    %jit3A = arith.constant 0.000000e+00 : f32
    %broadcast_in_dim3A = vector.broadcast %jit3A : f32 to vector<48x128xf32>
    %select_n3A = arith.select %ge3A_23, %broadcast_in_dim3A, %get3A_26 : vector<48x128xi1>, vector<48x128xf32>
    %sub3A = arith.subf %get3A_13, %get3A_3 : vector<48x128xf32>
    %sub3A_27 = arith.subf %get3A_18, %get3A_8 : vector<48x128xf32>
    %mul3A_28 = arith.mulf %sub3A, %sub3A_27 : vector<48x128xf32>
    %swap3A = arith.constant 0 : index
    %swap3A_29 = arith.constant 0 : index
    %swap3A_30 = vector.load %arg7[%swap3A, %swap3A_29] : memref<48x128xf32, #tpu.memory_space<vmem>>, vector<48x128xf32>
    tpu.vector_store %arg7[%swap3A, %swap3A_29], %mul3A_28 {strides = array<i32>} : memref<48x128xf32, #tpu.memory_space<vmem>>, vector<48x128xf32>,
    %swap3A_31 = arith.constant 0 : index
    %swap3A_32 = arith.constant 0 : index
    %swap3A_33 = vector.load %arg3[%swap3A_31, %swap3A_32] : memref<48x128xf32, #tpu.memory_space<vmem>>, vector<48x128xf32>
    tpu.vector_store %arg3[%swap3A_31, %swap3A_32], %select_n3A {strides = array<i32>} : memref<48x128xf32, #tpu.memory_space<vmem>>, vector<48x128xf32>,
    %broadcast_in_dim3A_34 = arith.constant 0.000000e+00 : f32
    %broadcast_in_dim3A_35 = vector.broadcast %broadcast_in_dim3A_34 : f32 to vector<48x128xf32>
    %swap3A_36 = arith.constant 0 : index
    %swap3A_37 = arith.constant 0 : index
    %swap3A_38 = vector.load %arg2[%swap3A_36, %swap3A_37] : memref<48x128xf32, #tpu.memory_space<vmem>>, vector<48x128xf32>
    tpu.vector_store %arg2[%swap3A_36, %swap3A_37], %broadcast_in_dim3A_35 {strides = array<i32>} : memref<48x128xf32, #tpu.memory_space<vmem>>, vector<48x128xf32>,
    %swap3A_39 = arith.constant 0 : i32
    %swap3A_40 = arith.constant 0 : index
    %swap3A_41 = arith.constant 0 : index
    %swap3A_42 = memref.load %arg8[%swap3A_40, %swap3A_41] : memref<1x1xi32, #tpu.memory_space<smem>>
    memref.store %swap3A_39, %arg8[%swap3A_40, %swap3A_41] : memref<1x1xi32, #tpu.memory_space<smem>>
    %iota3A_43 = tpu.iota {dimensions = array<i32: 0>} : vector<128x128xi32>
    %iota3A_44 = tpu.iota {dimensions = array<i32: 1>} : vector<128x128xi32>
    %eq3A = arith.cmpi eq, %iota3A_43, %iota3A_44 : vector<128x128xi32>
    %convert_element_type3A = arith.extui %eq3A : vector<128x128xi1> to vector<128x128xi32>
    %convert_element_type3A_45 = arith.sitofp %convert_element_type3A : vector<128x128xi32> to vector<128x128xf32>
    %broadcast_in_dim3A_46 = vector.shape_cast %get3A_3 : vector<48x128xf32> to vector<1x48x128xf32>
    %broadcast_in_dim3A_47 = vector.shape_cast %get3A_8 : vector<48x128xf32> to vector<1x48x128xf32>
    %broadcast_in_dim3A_48 = vector.shape_cast %get3A_13 : vector<48x128xf32> to vector<1x48x128xf32>
    %broadcast_in_dim3A_49 = vector.shape_cast %get3A_18 : vector<48x128xf32> to vector<1x48x128xf32>
    %broadcast_in_dim3A_50 = vector.shape_cast %mul3A_28 : vector<48x128xf32> to vector<1x48x128xf32>
    %broadcast_in_dim3A_51 = vector.shape_cast %add3A : vector<48x128xi32> to vector<1x48x128xi32>
    %scan3A = arith.constant 0 : i32
    %scan3A_52 = arith.constant 48 : i32
    %scan3A_53 = arith.addi %scan3A, %scan3A_52 : i32
    %scan3A_54 = arith.constant 1 : i32
    scf.for %scan3A_56 = %scan3A to %scan3A_53 step %scan3A_54  : i32 {
      %get3A_57 = arith.constant 0 : index
      %get3A_58 = arith.constant 0 : index
      %get3A_59 = memref.load %arg8[%get3A_57, %get3A_58] : memref<1x1xi32, #tpu.memory_space<smem>>
      %lt3A = arith.constant 1000 : i32
      %lt3A_60 = arith.cmpi slt, %get3A_59, %lt3A : i32
      %convert_element_type3A_61 = arith.extui %lt3A_60 : i1 to i32
      %cond3A = arith.constant 0 : i32
      %cond3A_62 = arith.cmpi ne, %convert_element_type3A_61, %cond3A : i32
      scf.if %cond3A_62 {
        %get3A_63 = arith.constant 0 : index
        %get3A_64 = arith.index_cast %scan3A_56 : i32 to index
        %get3A_65 = arith.constant 0 : index
        %get3A_66 = vector.load %arg0[%get3A_63, %get3A_64, %get3A_65] : memref<4x48x128xf32, #tpu.memory_space<vmem>>, vector<1x1x128xf32>
        %get3A_67 = vector.shape_cast %get3A_66 : vector<1x1x128xf32> to vector<1x128xf32>
        %dot_general3A = arith.constant dense<0.000000e+00> : vector<128x1xf32>
        %dot_general3A_68 = tpu.matmul %convert_element_type3A_45, %get3A_67, %dot_general3A {dimension_numbers = #tpu.dot_dimension_numbers<[1], [1], [0], [0], [0, 0, 1, 0], [], []>, precision = #tpu.contract_precision<fp32>, transpose_lhs_hint = false} : vector<128x128xf32>, vector<1x128xf32>, vector<128x1xf32> -> vector<128x1xf32>
        %reshape3A = vector.shape_cast %dot_general3A_68 : vector<128x1xf32> to vector<128x1x1xf32>
        %get3A_69 = arith.constant 1 : index
        %get3A_70 = arith.index_cast %scan3A_56 : i32 to index
        %get3A_71 = arith.constant 0 : index
        %get3A_72 = vector.load %arg0[%get3A_69, %get3A_70, %get3A_71] : memref<4x48x128xf32, #tpu.memory_space<vmem>>, vector<1x1x128xf32>
        %get3A_73 = vector.shape_cast %get3A_72 : vector<1x1x128xf32> to vector<1x128xf32>
        %dot_general3A_74 = arith.constant dense<0.000000e+00> : vector<128x1xf32>
        %dot_general3A_75 = tpu.matmul %convert_element_type3A_45, %get3A_73, %dot_general3A_74 {dimension_numbers = #tpu.dot_dimension_numbers<[1], [1], [0], [0], [0, 0, 1, 0], [], []>, precision = #tpu.contract_precision<fp32>, transpose_lhs_hint = false} : vector<128x128xf32>, vector<1x128xf32>, vector<128x1xf32> -> vector<128x1xf32>
        %reshape3A_76 = vector.shape_cast %dot_general3A_75 : vector<128x1xf32> to vector<128x1x1xf32>
        %get3A_77 = arith.constant 2 : index
        %get3A_78 = arith.index_cast %scan3A_56 : i32 to index
        %get3A_79 = arith.constant 0 : index
        %get3A_80 = vector.load %arg0[%get3A_77, %get3A_78, %get3A_79] : memref<4x48x128xf32, #tpu.memory_space<vmem>>, vector<1x1x128xf32>
        %get3A_81 = vector.shape_cast %get3A_80 : vector<1x1x128xf32> to vector<1x128xf32>
        %dot_general3A_82 = arith.constant dense<0.000000e+00> : vector<128x1xf32>
        %dot_general3A_83 = tpu.matmul %convert_element_type3A_45, %get3A_81, %dot_general3A_82 {dimension_numbers = #tpu.dot_dimension_numbers<[1], [1], [0], [0], [0, 0, 1, 0], [], []>, precision = #tpu.contract_precision<fp32>, transpose_lhs_hint = false} : vector<128x128xf32>, vector<1x128xf32>, vector<128x1xf32> -> vector<128x1xf32>
        %reshape3A_84 = vector.shape_cast %dot_general3A_83 : vector<128x1xf32> to vector<128x1x1xf32>
        %get3A_85 = arith.constant 3 : index
        %get3A_86 = arith.index_cast %scan3A_56 : i32 to index
        %get3A_87 = arith.constant 0 : index
        %get3A_88 = vector.load %arg0[%get3A_85, %get3A_86, %get3A_87] : memref<4x48x128xf32, #tpu.memory_space<vmem>>, vector<1x1x128xf32>
        %get3A_89 = vector.shape_cast %get3A_88 : vector<1x1x128xf32> to vector<1x128xf32>
        %dot_general3A_90 = arith.constant dense<0.000000e+00> : vector<128x1xf32>
        %dot_general3A_91 = tpu.matmul %convert_element_type3A_45, %get3A_89, %dot_general3A_90 {dimension_numbers = #tpu.dot_dimension_numbers<[1], [1], [0], [0], [0, 0, 1, 0], [], []>, precision = #tpu.contract_precision<fp32>, transpose_lhs_hint = false} : vector<128x128xf32>, vector<1x128xf32>, vector<128x1xf32> -> vector<128x1xf32>
        %reshape3A_92 = vector.shape_cast %dot_general3A_91 : vector<128x1xf32> to vector<128x1x1xf32>
        %get3A_93 = arith.index_cast %scan3A_56 : i32 to index
        %get3A_94 = arith.constant 0 : index
        %get3A_95 = vector.load %arg7[%get3A_93, %get3A_94] : memref<48x128xf32, #tpu.memory_space<vmem>>, vector<1x128xf32>
        %dot_general3A_96 = arith.constant dense<0.000000e+00> : vector<128x1xf32>
        %dot_general3A_97 = tpu.matmul %convert_element_type3A_45, %get3A_95, %dot_general3A_96 {dimension_numbers = #tpu.dot_dimension_numbers<[1], [1], [0], [0], [0, 0, 1, 0], [], []>, precision = #tpu.contract_precision<fp32>, transpose_lhs_hint = false} : vector<128x128xf32>, vector<1x128xf32>, vector<128x1xf32> -> vector<128x1xf32>
        %reshape3A_98 = vector.shape_cast %dot_general3A_97 : vector<128x1xf32> to vector<128x1x1xf32>
        %max3A = vector.broadcast %reshape3A : vector<128x1x1xf32> to vector<128x48x128xf32>
        %max3A_99 = vector.broadcast %broadcast_in_dim3A_46 : vector<1x48x128xf32> to vector<128x48x128xf32>
        %max3A_100 = arith.maximumf %max3A, %max3A_99 : vector<128x48x128xf32>
        %max3A_101 = vector.broadcast %reshape3A_76 : vector<128x1x1xf32> to vector<128x48x128xf32>
        %max3A_102 = vector.broadcast %broadcast_in_dim3A_47 : vector<1x48x128xf32> to vector<128x48x128xf32>
        %max3A_103 = arith.maximumf %max3A_101, %max3A_102 : vector<128x48x128xf32>
        %min3A = vector.broadcast %reshape3A_84 : vector<128x1x1xf32> to vector<128x48x128xf32>
        %min3A_104 = vector.broadcast %broadcast_in_dim3A_48 : vector<1x48x128xf32> to vector<128x48x128xf32>
        %min3A_105 = arith.minimumf %min3A, %min3A_104 : vector<128x48x128xf32>
        %min3A_106 = vector.broadcast %reshape3A_92 : vector<128x1x1xf32> to vector<128x48x128xf32>
        %min3A_107 = vector.broadcast %broadcast_in_dim3A_49 : vector<1x48x128xf32> to vector<128x48x128xf32>
        %min3A_108 = arith.minimumf %min3A_106, %min3A_107 : vector<128x48x128xf32>
        %sub3A_109 = arith.subf %min3A_105, %max3A_100 : vector<128x48x128xf32>
        %jit3A_110 = arith.constant 0.000000e+00 : f32
        %max3A_111 = vector.broadcast %jit3A_110 : f32 to vector<128x48x128xf32>
        %max3A_112 = arith.maximumf %max3A_111, %sub3A_109 : vector<128x48x128xf32>
        %sub3A_113 = arith.subf %min3A_108, %max3A_103 : vector<128x48x128xf32>
        %jit3A_114 = arith.constant 0.000000e+00 : f32
        %max3A_115 = vector.broadcast %jit3A_114 : f32 to vector<128x48x128xf32>
        %max3A_116 = arith.maximumf %max3A_115, %sub3A_113 : vector<128x48x128xf32>
        %mul3A_117 = arith.mulf %max3A_112, %max3A_116 : vector<128x48x128xf32>
        %add3A_118 = vector.broadcast %reshape3A_98 : vector<128x1x1xf32> to vector<128x48x128xf32>
        %add3A_119 = vector.broadcast %broadcast_in_dim3A_50 : vector<1x48x128xf32> to vector<128x48x128xf32>
        %add3A_120 = arith.addf %add3A_118, %add3A_119 : vector<128x48x128xf32>
        %sub3A_121 = arith.subf %add3A_120, %mul3A_117 : vector<128x48x128xf32>
        %div3A = arith.divf %mul3A_117, %sub3A_121 : vector<128x48x128xf32>
        %mul3A_122 = arith.constant 128 : i32
        %mul3A_123 = arith.muli %scan3A_56, %mul3A_122 : i32
        %iota3A_124 = tpu.iota {dimensions = array<i32: 0>} : vector<128x1x1xi32>
        %add3A_125 = vector.broadcast %mul3A_123 : i32 to vector<128x1x1xi32>
        %add3A_126 = arith.addi %add3A_125, %iota3A_124 : vector<128x1x1xi32>
        %gt3A = arith.constant 0.699999988 : f32
        %gt3A_127 = vector.broadcast %gt3A : f32 to vector<128x48x128xf32>
        %gt3A_128 = arith.cmpf ogt, %div3A, %gt3A_127 : vector<128x48x128xf32>
        %gt3A_129 = vector.broadcast %broadcast_in_dim3A_51 : vector<1x48x128xi32> to vector<128x48x128xi32>
        %gt3A_130 = vector.broadcast %add3A_126 : vector<128x1x1xi32> to vector<128x48x128xi32>
        %gt3A_131 = arith.cmpi sgt, %gt3A_129, %gt3A_130 : vector<128x48x128xi32>
        %and3A = arith.andi %gt3A_128, %gt3A_131 : vector<128x48x128xi1>
        %jit3A_132 = arith.constant 1.000000e+00 : f32
        %jit3A_133 = arith.constant 0.000000e+00 : f32
        %broadcast_in_dim3A_134 = vector.broadcast %jit3A_132 : f32 to vector<128x48x128xf32>
        %broadcast_in_dim3A_135 = vector.broadcast %jit3A_133 : f32 to vector<128x48x128xf32>
        %select_n3A_136 = arith.select %and3A, %broadcast_in_dim3A_134, %broadcast_in_dim3A_135 : vector<128x48x128xi1>, vector<128x48x128xf32>
        %swap3A_137 = arith.constant 0 : index
        %swap3A_138 = arith.constant 0 : index
        %swap3A_139 = arith.constant 0 : index
        %swap3A_140 = vector.load %arg6[%swap3A_137, %swap3A_138, %swap3A_139] : memref<128x48x128xf32, #tpu.memory_space<vmem>>, vector<128x48x128xf32>
        tpu.vector_store %arg6[%swap3A_137, %swap3A_138, %swap3A_139], %select_n3A_136 {strides = array<i32>} : memref<128x48x128xf32, #tpu.memory_space<vmem>>, vector<128x48x128xf32>,
        %get3A_141 = arith.constant 0 : index
        %get3A_142 = arith.index_cast %scan3A_56 : i32 to index
        %get3A_143 = arith.constant 0 : index
        %get3A_144 = vector.load %arg6[%get3A_141, %get3A_142, %get3A_143] : memref<128x48x128xf32, #tpu.memory_space<vmem>>, vector<128x1x128xf32>
        %swap3A_145 = arith.constant 0 : index
        %swap3A_146 = arith.constant 0 : index
        %swap3A_147 = arith.constant 0 : index
        %swap3A_148 = vector.load %arg5[%swap3A_145, %swap3A_146, %swap3A_147] : memref<128x1x128xf32, #tpu.memory_space<vmem>>, vector<128x1x128xf32>
        tpu.vector_store %arg5[%swap3A_145, %swap3A_146, %swap3A_147], %get3A_144 {strides = array<i32>} : memref<128x1x128xf32, #tpu.memory_space<vmem>>, vector<128x1x128xf32>,
        %get3A_149 = arith.index_cast %scan3A_56 : i32 to index
        %get3A_150 = arith.constant 0 : index
        %get3A_151 = vector.load %arg3[%get3A_149, %get3A_150] : memref<48x128xf32, #tpu.memory_space<vmem>>, vector<1x128xf32>
        %swap3A_152 = arith.constant 0 : index
        %swap3A_153 = arith.constant 0 : index
        %swap3A_154 = vector.load %arg4[%swap3A_152, %swap3A_153] : memref<1x128xf32, #tpu.memory_space<vmem>>, vector<1x128xf32>
        tpu.vector_store %arg4[%swap3A_152, %swap3A_153], %get3A_151 {strides = array<i32>} : memref<1x128xf32, #tpu.memory_space<vmem>>, vector<1x128xf32>,
        %swap3A_155 = arith.constant 0 : i32
        %swap3A_156 = arith.constant 0 : index
        %swap3A_157 = arith.constant 0 : index
        %swap3A_158 = memref.load %arg9[%swap3A_156, %swap3A_157] : memref<1x1xi32, #tpu.memory_space<smem>>
        memref.store %swap3A_155, %arg9[%swap3A_156, %swap3A_157] : memref<1x1xi32, #tpu.memory_space<smem>>
        %get3A_159 = arith.index_cast %scan3A_56 : i32 to index
        %get3A_160 = arith.constant 0 : index
        %get3A_161 = vector.load %arg3[%get3A_159, %get3A_160] : memref<48x128xf32, #tpu.memory_space<vmem>>, vector<1x128xf32>
        %scan3A_162 = arith.constant 0 : i32
        %scan3A_163 = arith.constant 128 : i32
        %scan3A_164 = arith.addi %scan3A_162, %scan3A_163 : i32
        %scan3A_165 = arith.constant 1 : i32
        scf.for %scan3A_204 = %scan3A_162 to %scan3A_164 step %scan3A_165  : i32 {
          %get3A_205 = arith.constant 0 : index
          %get3A_206 = arith.constant 0 : index
          %get3A_207 = memref.load %arg9[%get3A_205, %get3A_206] : memref<1x1xi32, #tpu.memory_space<smem>>
          %eq3A_208 = arith.constant 0 : i32
          %eq3A_209 = arith.cmpi eq, %get3A_207, %eq3A_208 : i32
          %convert_element_type3A_210 = arith.extui %eq3A_209 : i1 to i32
          %cond3A_211 = arith.constant 0 : i32
          %cond3A_212 = arith.cmpi ne, %convert_element_type3A_210, %cond3A_211 : i32
          scf.if %cond3A_212 {
            %get3A_213 = arith.constant 0 : index
            %get3A_214 = arith.constant 0 : index
            %get3A_215 = vector.load %arg4[%get3A_213, %get3A_214] : memref<1x128xf32, #tpu.memory_space<vmem>>, vector<1x128xf32>
            %dot_general3A_216 = arith.constant dense<0.000000e+00> : vector<128x1xf32>
            %dot_general3A_217 = tpu.matmul %convert_element_type3A_45, %get3A_215, %dot_general3A_216 {dimension_numbers = #tpu.dot_dimension_numbers<[1], [1], [0], [0], [0, 0, 1, 0], [], []>, precision = #tpu.contract_precision<fp32>, transpose_lhs_hint = false} : vector<128x128xf32>, vector<1x128xf32>, vector<128x1xf32> -> vector<128x1xf32>
            %reshape3A_218 = vector.shape_cast %dot_general3A_217 : vector<128x1xf32> to vector<128x1x1xf32>
            %get3A_219 = arith.constant 0 : index
            %get3A_220 = arith.constant 0 : index
            %get3A_221 = arith.constant 0 : index
            %get3A_222 = vector.load %arg5[%get3A_219, %get3A_220, %get3A_221] : memref<128x1x128xf32, #tpu.memory_space<vmem>>, vector<128x1x128xf32>
            %mul3A_223 = vector.broadcast %reshape3A_218 : vector<128x1x1xf32> to vector<128x1x128xf32>
            %mul3A_224 = arith.mulf %mul3A_223, %get3A_222 : vector<128x1x128xf32>
            %reduce_max3A_225 = arith.constant dense<0xFF800000> : vector<1x128xf32>
            %reduce_max3A_226 = vector.multi_reduction <maximumf>, %mul3A_224, %reduce_max3A_225 [0] : vector<128x1x128xf32> to vector<1x128xf32>
            %sub3A_227 = arith.constant 1.000000e+00 : f32
            %sub3A_228 = vector.broadcast %sub3A_227 : f32 to vector<1x128xf32>
            %sub3A_229 = arith.subf %sub3A_228, %reduce_max3A_226 : vector<1x128xf32>
            %mul3A_230 = arith.mulf %get3A_161, %sub3A_229 : vector<1x128xf32>
            %sub3A_231 = arith.subf %mul3A_230, %get3A_215 : vector<1x128xf32>
            %abs3A = math.absf %sub3A_231 : vector<1x128xf32>
            %reduce_sum3A_232 = vector.shape_cast %abs3A : vector<1x128xf32> to vector<1x1x128xf32>
            %reduce_sum3A_233 = arith.constant dense<0.000000e+00> : vector<1xf32>
            %reduce_sum3A_234 = vector.multi_reduction <add>, %reduce_sum3A_232, %reduce_sum3A_233 [1, 2] : vector<1x1x128xf32> to vector<1xf32>
            %reduce_sum3A_235 = vector.shape_cast %reduce_sum3A_234 : vector<1xf32> to vector<1x1x1xf32>
            %reduce_sum3A_236 = vector.extract %reduce_sum3A_235[0, 0, 0] : f32 from vector<1x1x1xf32>
            %swap3A_237 = arith.constant 0 : index
            %swap3A_238 = arith.constant 0 : index
            %swap3A_239 = vector.load %arg4[%swap3A_237, %swap3A_238] : memref<1x128xf32, #tpu.memory_space<vmem>>, vector<1x128xf32>
            tpu.vector_store %arg4[%swap3A_237, %swap3A_238], %mul3A_230 {strides = array<i32>} : memref<1x128xf32, #tpu.memory_space<vmem>>, vector<1x128xf32>,
            %eq3A_240 = arith.constant 0.000000e+00 : f32
            %eq3A_241 = arith.cmpf oeq, %reduce_sum3A_236, %eq3A_240 : f32
            %convert_element_type3A_242 = arith.extui %eq3A_241 : i1 to i32
            %cond3A_243 = arith.constant 0 : i32
            %cond3A_244 = arith.cmpi ne, %convert_element_type3A_242, %cond3A_243 : i32
            scf.if %cond3A_244 {
              %swap3A_245 = arith.constant 1 : i32
              %swap3A_246 = arith.constant 0 : index
              %swap3A_247 = arith.constant 0 : index
              %swap3A_248 = memref.load %arg9[%swap3A_246, %swap3A_247] : memref<1x1xi32, #tpu.memory_space<smem>>
              memref.store %swap3A_245, %arg9[%swap3A_246, %swap3A_247] : memref<1x1xi32, #tpu.memory_space<smem>>
            } else {
            }
          } else {
          }
        }
        %get3A_166 = arith.constant 0 : index
        %get3A_167 = arith.constant 0 : index
        %get3A_168 = vector.load %arg4[%get3A_166, %get3A_167] : memref<1x128xf32, #tpu.memory_space<vmem>>, vector<1x128xf32>
        %swap3A_169 = arith.index_cast %scan3A_56 : i32 to index
        %swap3A_170 = arith.constant 0 : index
        %swap3A_171 = vector.load %arg2[%swap3A_169, %swap3A_170] : memref<48x128xf32, #tpu.memory_space<vmem>>, vector<1x128xf32>
        tpu.vector_store %arg2[%swap3A_169, %swap3A_170], %get3A_168 {strides = array<i32>} : memref<48x128xf32, #tpu.memory_space<vmem>>, vector<1x128xf32>,
        %get3A_172 = arith.constant 0 : index
        %get3A_173 = arith.constant 0 : index
        %get3A_174 = memref.load %arg8[%get3A_172, %get3A_173] : memref<1x1xi32, #tpu.memory_space<smem>>
        %reduce_sum3A = vector.shape_cast %get3A_168 : vector<1x128xf32> to vector<1x1x128xf32>
        %reduce_sum3A_175 = arith.constant dense<0.000000e+00> : vector<1xf32>
        %reduce_sum3A_176 = vector.multi_reduction <add>, %reduce_sum3A, %reduce_sum3A_175 [1, 2] : vector<1x1x128xf32> to vector<1xf32>
        %reduce_sum3A_177 = vector.shape_cast %reduce_sum3A_176 : vector<1xf32> to vector<1x1x1xf32>
        %reduce_sum3A_178 = vector.extract %reduce_sum3A_177[0, 0, 0] : f32 from vector<1x1x1xf32>
        %convert_element_type3A_179 = arith.fptosi %reduce_sum3A_178 : f32 to i32
        %add3A_180 = arith.addi %get3A_174, %convert_element_type3A_179 : i32
        %swap3A_181 = arith.constant 0 : index
        %swap3A_182 = arith.constant 0 : index
        %swap3A_183 = memref.load %arg8[%swap3A_181, %swap3A_182] : memref<1x1xi32, #tpu.memory_space<smem>>
        memref.store %add3A_180, %arg8[%swap3A_181, %swap3A_182] : memref<1x1xi32, #tpu.memory_space<smem>>
        %dot_general3A_184 = arith.constant dense<0.000000e+00> : vector<128x1xf32>
        %dot_general3A_185 = tpu.matmul %convert_element_type3A_45, %get3A_168, %dot_general3A_184 {dimension_numbers = #tpu.dot_dimension_numbers<[1], [1], [0], [0], [0, 0, 1, 0], [], []>, precision = #tpu.contract_precision<fp32>, transpose_lhs_hint = false} : vector<128x128xf32>, vector<1x128xf32>, vector<128x1xf32> -> vector<128x1xf32>
        %reshape3A_186 = vector.shape_cast %dot_general3A_185 : vector<128x1xf32> to vector<128x1x1xf32>
        %get3A_187 = arith.constant 0 : index
        %get3A_188 = arith.constant 0 : index
        %get3A_189 = arith.constant 0 : index
        %get3A_190 = vector.load %arg6[%get3A_187, %get3A_188, %get3A_189] : memref<128x48x128xf32, #tpu.memory_space<vmem>>, vector<128x48x128xf32>
        %mul3A_191 = vector.broadcast %reshape3A_186 : vector<128x1x1xf32> to vector<128x48x128xf32>
        %mul3A_192 = arith.mulf %mul3A_191, %get3A_190 : vector<128x48x128xf32>
        %reduce_max3A = arith.constant dense<0xFF800000> : vector<48x128xf32>
        %reduce_max3A_193 = vector.multi_reduction <maximumf>, %mul3A_192, %reduce_max3A [0] : vector<128x48x128xf32> to vector<48x128xf32>
        %get3A_194 = arith.constant 0 : index
        %get3A_195 = arith.constant 0 : index
        %get3A_196 = vector.load %arg3[%get3A_194, %get3A_195] : memref<48x128xf32, #tpu.memory_space<vmem>>, vector<48x128xf32>
        %sub3A_197 = arith.constant 1.000000e+00 : f32
        %sub3A_198 = vector.broadcast %sub3A_197 : f32 to vector<48x128xf32>
        %sub3A_199 = arith.subf %sub3A_198, %reduce_max3A_193 : vector<48x128xf32>
        %mul3A_200 = arith.mulf %get3A_196, %sub3A_199 : vector<48x128xf32>
        %swap3A_201 = arith.constant 0 : index
        %swap3A_202 = arith.constant 0 : index
        %swap3A_203 = vector.load %arg3[%swap3A_201, %swap3A_202] : memref<48x128xf32, #tpu.memory_space<vmem>>, vector<48x128xf32>
        tpu.vector_store %arg3[%swap3A_201, %swap3A_202], %mul3A_200 {strides = array<i32>} : memref<48x128xf32, #tpu.memory_space<vmem>>, vector<48x128xf32>,
      } else {
      }
    }
    %scan3A_55 = arith.constant 48 : i32
    return
  }
}

</mosaic_0001>

<sc_bundles>
// kernel: gather_offload_async_start.1
scs
__scs_entry_jumppad:
0x0: {  	(pc) =	sbr.rel $0x88, $3  }
0x1: {  	(tag) =	ssettag $0x0;
	lr =	simm.s32 $0x1  }
0x2: {  	[smem:$0x3F99] =	sst lr;
	_ =	strace $0xD0000000  }
0x3: {  	_ = 	snop  }
0x4: {  	_ = 	snop  }
0x5: {  	_ = 	snop  }
0x6: {  	_ = 	snop  }
0x7: {  	_ = 	snop  }
__scs_overlays_trampoline_lowered:
0x8: {  	[smem:$0x3FA8] =	sst s0  }
0x9: {  	[smem:$0x3FA9] =	sst s1  }
0xa: {  	[smem:$0x3FAA] =	sst s2  }
0xb: {  	[smem:$0x3FAB] =	sst s3  }
0xc: {  	[smem:$0x3FAC] =	sst s4  }
0xd: {  	[smem:$0x3FAD] =	sst s5  }
0xe: {  	[smem:$0x3FAE] =	sst s6  }
0xf: {  	[smem:$0x3FAF] =	sst s7  }
0x10: {  	[smem:$0x3FB0] =	sst s8  }
0x11: {  	[smem:$0x3FB1] =	sst s9;
	s0 =	simm.s32 @!p0 $0x0  }
0x12: {  	s1 =	sld [smem:$0x3F97];
	s0 =	simm.s32 @p0 $0x1  }
0x13: {  	[smem:$0x3FB2] =	sst s0;
	s0 =	simm.s32 @!p1 $0x0  }
0x14: {  	s2 =	sld [smem:$0x3F96];
	s0 =	simm.s32 @p1 $0x1  }
0x15: {  	[smem:$0x3FB3] =	sst s0;
	s0 =	simm.s32 @!p2 $0x0  }
0x16: {  	s3 =	sld [smem:$0x3FDB];
	s0 =	simm.s32 @p2 $0x1  }
0x17: {  	s4 =	simm.s32 $0x1BF5;
	[smem:$0x3FB5] =	sst s0  }
0x18: {  	s0 =	sld [smem:$0x3F98];
	_ =	swait.ge [sflag:s4], $0x0  }
0x19: {  	s7 =	sld [smem:$0x3F99]  }
0x1a: {  	s8 =	sadd.s32 $0xFFFFE003, lr  }
0x1b: {  	s9 =	sadd.s32 $0xFFFFFEF7, lr;
	s5 =	simm.s32 $0xFFFFFFFF;
	p2 =	slt.u32 s8, $0xFFFFF086  }
0x1c: {  	p1 =	slt.u32 s9, $0xF7A;
	s5 =	simm.s32 @!p2 $0x0  }
0x1d: {  	s5 =	simm.s32 @p1 $0x1;
	p0 =	seq.s32 s7, s2  }
0x1e: {  	s7 =	smul.u32 @!p0 $0xF7A, s2;
	p2 =	seq.s32 @!p0 s5, $0x0  }
0x1f: {  	s9 =	smul.u32 $0xF7A, s1;
	s8 =	simm.s32 @!p0 $0x1BF5;
	p2 =	por !p2, p0  }
0x20: {  	[sflag:s8] =	ssyncset.s32 @!p0 $0xFFFFF086;
	s6 =	sadd.s32 @!p0 s3, s7;
	s7 =	simm.s32 @!p0 $0x108  }
0x21: {  	s3 =	sadd.s32 s3, s9;
	s6 =	sadd.s32 @!p0 $0x88, s6;
	s7 =	simm.s32 @p2 $0x1082  }
0x22: {  	[simem:s7], [sflag:s8] =	dma.local @!p0 [hbm:s6], $0xF7A  }
0x23: {  	s9 =	sor.u32 $0xD0000000, s2;
	s6 =	simm.s32 $0x108;
	_ =	swait.ge @!p0 [sflag:s8], $0x0  }
0x24: {  	s3 =	sadd.s32 $0x88, s3;
	s6 =	simm.s32 @!p1 $0x1082;
	[sflag:s4] =	ssyncset.s32 $0xFFFFF086  }
0x25: {  	[simem:s6], [sflag:s4] =	dma.local [hbm:s3], $0xF7A  }
0x26: {  	[smem:$0x3F99] =	sst s1;
	(tag) =	ssettag s2;
	_ =	strace s9  }
0x27: {  	s1 =	sld [smem:$0x3FA9]  }
0x28: {  	s2 =	sld [smem:$0x3FAA]  }
0x29: {  	s4 =	sld [smem:$0x3FAC]  }
0x2a: {  	p0 =	seq.s32 s5, $0x0;
	s5 =	sld [smem:$0x3FAD]  }
0x2b: {  	s6 =	sld [smem:$0x3FAE]  }
0x2c: {  	s7 =	sld [smem:$0x3FAF]  }
0x2d: {  	s3 =	simm.s32 $0x108;
	s8 =	sld [smem:$0x3FB0]  }
0x2e: {  	s3 =	simm.s32 @!p0 $0x1082;
	s9 =	sld [smem:$0x3FB1]  }
0x2f: {  	lr =	sadd.s32 s0, s3;
	s0 =	sld [smem:$0x3FA8]  }
0x30: {  	s3 =	sld [smem:$0x3FAB]  }
0x31: {  	[smem:$0x3FB4] =	sst s10  }
0x32: {  	s10 =	sld [smem:$0x3FB2];
	_ =	sdelay $0x3  }
0x33: {  	p0 =	seq.s32 s10, $0x1;
	s10 =	sld [smem:$0x3FB4];
	_ =	sdelay $0x3  }
0x34: {  	[smem:$0x3FB4] =	sst s10  }
0x35: {  	s10 =	sld [smem:$0x3FB3];
	_ =	sdelay $0x3  }
0x36: {  	p1 =	seq.s32 s10, $0x1;
	s10 =	sld [smem:$0x3FB4];
	_ =	sdelay $0x3  }
0x37: {  	[smem:$0x3FB4] =	sst s10  }
0x38: {  	s10 =	sld [smem:$0x3FB5]  }
0x39: {  	_ = 	snop;
	(pc) =	sbr.ind lr, $3  }
0x3a: {  	_ = 	snop  }
0x3b: {  	_ = 	snop  }
0x3c: {  	p2 =	seq.s32 s10, $0x1;
	s10 =	sld [smem:$0x3FB4]  }
0x3d: {  	_ =	shalt  }
0x3e: {  	_ =	shalt  }
0x3f: {  	_ =	shalt  }
0x40: {  	_ =	shalt  }
0x41: {  	_ =	shalt  }
0x42: {  	_ =	shalt  }
0x43: {  	_ =	shalt  }
0x44: {  	_ =	shalt  }
0x45: {  	_ =	shalt  }
0x46: {  	_ =	shalt  }
0x47: {  	_ =	shalt  }
0x48: {  	_ =	shalt  }
0x49: {  	_ =	shalt  }
0x4a: {  	_ =	shalt  }
0x4b: {  	_ =	shalt  }
0x4c: {  	_ =	shalt  }
0x4d: {  	_ =	shalt  }
0x4e: {  	_ =	shalt  }
0x4f: {  	_ =	shalt  }
0x50: {  	_ =	shalt  }
0x51: {  	_ =	shalt  }
0x52: {  	_ =	shalt  }
0x53: {  	_ =	shalt  }
0x54: {  	_ =	shalt  }
0x55: {  	_ =	shalt  }
0x56: {  	_ =	shalt  }
0x57: {  	_ =	shalt  }
0x58: {  	_ =	shalt  }
0x59: {  	_ =	shalt  }
0x5a: {  	_ =	shalt  }
0x5b: {  	_ =	shalt  }
0x5c: {  	_ =	shalt  }
0x5d: {  	_ =	shalt  }
0x5e: {  	_ =	shalt  }
0x5f: {  	_ =	shalt  }
0x60: {  	_ =	shalt  }
0x61: {  	_ =	shalt  }
0x62: {  	_ =	shalt  }
0x63: {  	_ =	shalt  }
0x64: {  	_ =	shalt  }
0x65: {  	_ =	shalt  }
0x66: {  	_ =	shalt  }
0x67: {  	_ =	shalt  }
0x68: {  	_ =	shalt  }
0x69: {  	_ =	shalt  }
0x6a: {  	_ =	shalt  }
0x6b: {  	_ =	shalt  }
0x6c: {  	_ =	shalt  }
0x6d: {  	_ =	shalt  }
0x6e: {  	_ =	shalt  }
0x6f: {  	_ =	shalt  }
0x70: {  	_ =	shalt  }
0x71: {  	_ =	shalt  }
0x72: {  	_ =	shalt  }
0x73: {  	_ =	shalt  }
0x74: {  	_ =	shalt  }
0x75: {  	_ =	shalt  }
0x76: {  	_ =	shalt  }
0x77: {  	_ =	shalt  }
0x78: {  	_ =	shalt  }
0x79: {  	_ =	shalt  }
0x7a: {  	_ =	shalt  }
0x7b: {  	_ =	shalt  }
0x7c: {  	_ =	shalt  }
0x7d: {  	_ =	shalt  }
0x7e: {  	_ =	shalt  }
0x7f: {  	_ =	shalt  }
0x80: {  	_ =	shalt  }
0x81: {  	_ =	shalt  }
0x82: {  	_ =	shalt  }
0x83: {  	_ =	shalt  }
0x84: {  	_ =	shalt  }
0x85: {  	_ =	shalt  }
0x86: {  	_ =	shalt  }
0x87: {  	_ =	shalt  }
.Lfunc_end0:
.L_simem_size_0:
called_computation.1_lowered:
.L_overlay_start_0:
0x88: {  	s0 =	sld [smem:$0x3FD9]  }
0x89: {  	s1 =	sld [smem:$0x3FFE];
	_ =	sdelay $0x3  }
0x8a: {  	s0 =	sadd.s32 s1, s0  }
0x8b: {  	[smem:$0x3FC0] =	sst s0  }
0x8c: {  	_ = 	snop  }
0x8d: {  	(tm) =	ssettm $0x1  }
0x8e: {  	s15 =	sld [smem:$0x3FFB];
	_ =	sdelay $0x3  }
0x8f: {  	_ =	strace s15  }
0x90: {  	s0 =	sld [smem:$0x3FFC];
	_ =	sdelay $0x3  }
0x91: {  	_ =	strace s0  }
0x92: {  	s0 =	sld [smem:$0x3FFD];
	_ =	sdelay $0x3  }
0x93: {  	_ =	strace s0  }
0x94: {  	_ =	strace $0x8FFFFFFF  }
0x95: {  	s16 =	sld [smem:$0x3FDB];
	_ =	sdelay $0x1  }
0x96: {  	s17 =	simm.s32 $_scs_section_size  }
0x97: {  	s2 =	simm.s32 $_size__tile_overlayer_lowered;
	s3 =	simm.s32 $_tile_overlayer_lowered  }
0x98: {  	s20 =	simm.s32 $0x1BFF;
	s19 =	sshll.u32 s3, $0x1;
	s0 =	sadd.s32 s17, s16  }
0x99: {  	s4 =	simm.s32 $0x0;
	s18 =	sshll.u32 s2, $0x1;
	s2 =	sadd.s32 s19, s0  }
0x9a: {  	[timem:s4], [sflag:s20] =	dma.local [hbm:s2], s18  }
0x9b: {  	_ =	swait.ge [sflag:s20], s18  }
0x9c: {  	s1 =	ssub.s32 $0x0, s18;
	[sflag:s20] =	ssyncset.done $0x0  }
0x9d: {  	[sflag:s20] =	ssyncadd.s32 s1;
	_ =	sdelay $0x1  }
0x9e: {  	s21 =	simm.s32 $0x1B8B  }
0x9f: {  	_ =	swait.ge [sflag:s21], $0x1  }
0xa0: {  	[sflag:s21] =	ssyncset.done $0x0  }
0xa1: {  	s23 =	simm.s32 $0x1B8E;
	s22 =	sld [smem:$0x3FFE];
	[sflag:s21] =	ssyncadd.s32 $0xFFFFFFFF  }
0xa2: {  	s24 =	simm.s32 $execute0_lowered;
	[smem:$0x3FD2] =	sst s23  }
0xa3: {  	s2 =	sshll.u32 s24, $0x1;
	_ =	strace $0x80000049;
	[dreg:$0x1] =	wrdreg $0xFFFFFFFF  }
0xa4: {  	s25 =	simm.s32 $_size_execute0_lowered;
	s0 =	sadd.s32 s0, s2;
	[dreg:$0x0] =	wrdreg $0x0  }
0xa5: {  	s2 =	sshll.u32 s25, $0x1;
	[dreg:$0x2] =	wrdreg s0  }
0xa6: {  	[dreg:$0x3] =	wrdreg s2  }
0xa7: {  	[dreg:$0x4] =	wrdreg $0xC0  }
0xa8: {  	_ =	task [dreg:s4], $0x5FFFF  }
0xa9: {  	[dreg:$0x1] =	wrdreg $0xFFFFFFFF  }
0xaa: {  	[dreg:$0x0] =	wrdreg $0x60  }
0xab: {  	[dreg:$0x2] =	wrdreg s22  }
0xac: {  	[dreg:$0x3] =	wrdreg $0xA  }
0xad: {  	_ =	task.clear_ibuf [dreg:s4], $0x4FFFF;
	_ =	strace $0x90000049  }
0xae: {  	s26 =	simm.s32 $0xA;
	_ =	strace $0x8000004B  }
0xaf: {  	_ =	swait.ge [sflag:s26], $0x1  }
0xb0: {  	[sflag:s26] =	ssyncadd.s32 $0xFFFFFFFF  }
0xb1: {  	_ =	strace $0x9000004B  }
0xb2: {  	_ =	sfence  }
0xb3: {  	s28 =	sld [smem:$0x0];
	_ =	sdelay $0x1  }
0xb4: {  	s29 =	srdreg.scid  }
0xb5: {  	s30 =	sshll.u32 s29, $0xD;
	s31 =	sshrl.u32 s29, $0x2  }
0xb6: {  	s1 =	sand.u32 $0x1, s29;
	s2 =	sand.u32 $0x4000, s30;
	s0 =	sadd.s32 s31, s28  }
0xb7: {  	s1 =	sor.u32 s2, s1;
	s0 =	sshll.u32 s0, $0x11  }
0xb8: {  	s0 =	sor.u32 s0, s1  }
0xb9: {  	s0 =	sadd.s32 $0x8F2B, s0  }
0xba: {  	[sflag:s0] =	ssyncadd.remote.s32 $0x1  }
0xbb: {  	_ =	sfence.sel $0xFFFF  }
0xbc: {  	[dreg:$0x0] =	wrdreg $0xFFFFFFFF;
	(pc) =	sbr.abs _section_cstart, $3  }
0xbd: {  	[dreg:$0x1] =	wrdreg $0xFFFFFFFF  }
0xbe: {  	_ =	task.clear_ibuf [dreg:s4], $0x2FFFF;
	_ =	strace $0x9FFFFFFF  }
0xbf: {  	(tm) =	ssettm $0x7FFFFFFF  }
tec
execute0_lowered:
.L_overlay_start_1:
0x0: {  	(tag) =	ssettag $0x1  }
0x1: {  	s0 =	stileid.u32  }
0x2: {  	s1 =	smin.u32 s0, $0xE  }
0x3: {  	s1 =	sadd.s32 s0, s1  }
0x4: {  	s2 =	simm.s32 $0x190;
	p0 =	slt.u32 s0, $0xE;
	s1 =	smul.u32 $0xC8, s1  }
0x5: {  	s2 =	simm.s32 @!p0 $0xC8  }
0x6: {  	s2 =	sadd.s32 s2, s1  }
0x7: {  	s3 =	smin.u32 s2, $0x1770  }
0x8: {  	s7 =	ssub.s32 s3, s1  }
0x9: {  	p0 =	sgt.s32 s7, $0x0  }
0xa: {  	s7 =	simm.s32 @!p0 $0x0  }
0xb: {  	s31 =	sand.u32 $0xFFF8, s7  }
0xc: {  	s2 =	sshrl.u32 s31, $0x3  }
0xd: {  	s2 =	smul.u32 $0x147B, s2  }
0xe: {  	s9 =	rddreg [dreg:$0x0];
	s6 =	simm.s32 $0x1;
	s11 =	simm.s32 $0x3  }
0xf: {  	s13 =	simm.s32 $0x0;
	s12 =	simm.s32 $0x0;
	s8 =	sshrl.u32 s2, $0x11  }
0x10: {  	s4 =	sadd.s32 $0xA8000, s9;
	s5 =	sadd.s32 $0x400, s9;
	s10 =	smul.u32 $0xC8, s8  }
.Ltmp0:
0x11: {  	s9 =	sadd.s32 $0x138000, s9;
	s2 =	rddreg [dreg:$0x1];
	(pc) =	sbr.rel .LBB2_1-.Ltmp0, $4  }
0x12: {  	_ =	strace $0x8000004A;
	p0 =	sne.s32 s7, s10;
	s10 =	simm.s32 $0x1  }
0x13: {  	[sflag:s6] =	ssyncpa.u1 $0x0;
	s7 =	simm.s32 $0x2;
	s10 =	simm.s32 @!p0 $0x0  }
0x14: {  	[sflag:s7] =	ssyncpa.u1 $0x0;
	p0 =	por $0x0, $0x0;
	s8 =	sadd.s32 s8, s10  }
0x15: {  	vm0 =	vmmov $0xff;
	vm1 =	vcmask $0x3F20;
	[sflag:s11] =	ssyncpa.u1 $0x0;
	s11 =	smov.u32 s1;
	s10 =	sadd.s32 $0x1, s8  }
.LBB2_6:
0x16: {  	[hbm:s17] =	stream.linear.scatter [tilespmem:s14], [sflag:$0x3], $0x400, $0x38;
	[tilespmem:$0xC990] =	vst v63  }
.LBB2_7:
0x17: {  	s13 =	sadd.s32 $0xC8, s11  }
0x18: {  	s15 =	smov.u32 s1;
	p2 =	slt.s32 s13, s3  }
0x19: {  	s15 =	smov.u32 @p2 s13;
	p2 =	sne.s32 s12, s10  }
.Ltmp1:
0x1a: {  	p1 =	slt.u32 s12, $0x2;
	(pc) =	sbr.rel @!p2 .LBB2_8-.Ltmp1, $4  }
0x1b: {  	s14 =	simm.s32 @!p1 $0x3  }
0x1c: {  	s16 =	sadd.s32 $0x1, s12;
	_ =	swait.ge @!p1 [sflag:s14], $0x6400  }
0x1d: {  	p0 =	por !p0, !p0;
	s13 =	smov.u32 s11;
	[sflag:s14] =	ssyncset.done @!p1 $0x0  }
0x1e: {  	s12 =	smov.u32 s16;
	s11 =	smov.u32 s15;
	[sflag:s14] =	ssyncadd.s32 @!p1 $0xFFFF9C00  }
.LBB2_1:
0x1f: {  	p1 =	sge.u32 s12, s8  }
0x20: {  	s14 =	sxor.u32 @!p1 $0xFFFFFFFF, s12  }
0x21: {  	s14 =	sand.u32 @!p1 $0x1, s14  }
0x22: {  	s14 =	smul.u32 @!p1 $0x320, s14  }
0x23: {  	s31 =	sadd.s32 $0xFFFFFFFF, s12;
	s15 =	sshrl.u32 @!p1 s11, $0x3  }
0x24: {  	s16 =	sand.u32 @!p1 $0x7, s11;
	s15 =	sadd.s32 @!p1 s5, s15;
	s14 =	sshrl.u32 @!p1 s14, $0x2  }
0x25: {  	[tilespmem:s14], [sflag:$0x2] =	stream.linear.gather @!p1 [hbm4b:s15+s16], $0xC8, $0x38;
	[tilespmem:$0xC990] =	vst v63  }
0x26: {  	p1 =	sge.u32 s31, s8  }
.Ltmp2:
0x27: {  	_ = 	snop;
	(pc) =	sbr.rel @p1 .LBB2_7-.Ltmp2, $1  }
0x28: {  	_ =	sdelay $0x3  }
0x29: {  	s14 =	simm.s32 $0x1  }
0x2a: {  	s14 =	simm.s32 @!p0 $0x0  }
0x2b: {  	s15 =	smul.u32 $0x320, s14  }
0x2c: {  	_ =	swait.ge [sflag:s7], $0xC8  }
0x2d: {  	[sflag:s7] =	ssyncset.done $0x0;
	s16 =	sshrl.u32 s15, $0x2  }
0x2e: {  	[sflag:s7] =	ssyncadd.s32 $0xFFFFFF38;
	s15 =	sadd.s32 $0x0, s16  }
0x2f: {  	v0 =	vld.msk [tilespmem:s15+$0x0 ss:$0x1], $0xffff;
	_ =	sdelay $0x4  }
0x30: {  	vm2 =	vgt.s32 v0, $0x0  }
0x31: {  	v0 =	vnsel vm2, $0x0, v0  }
0x32: {  	v0 =	vmin.u32 v0, $0x8FFF  }
0x33: {  	v0 =	vshll.u32 v0, $0x4  }
0x34: {  	s14 =	smul.u32 $0x19000, s14  }
0x35: {  	s31 =	sand.u32 $0x1, s12  }
0x36: {  	s17 =	smul.u32 $0x320, s31;
	s14 =	sshrl.u32 s14, $0x2  }
0x37: {  	s19 =	smul.u32 $0x19000, s31;
	s14 =	sor.u32 $0x190, s14  }
0x38: {  	[tilespmem:s14], [sflag:$0x1] =	stream.indirect_vreg.gather [hbm:s4], $0x80, v0, vm0, $0x38;
	[tilespmem:$0xC990] =	vst v63  }
0x39: {  	s18 =	sshrl.u32 s17, $0x2;
	s20 =	sadd.s32 $0x10, s16;
	s15 =	sadd.s32 $0x400, s14  }
0x3a: {  	[tilespmem:s15], [sflag:$0x1] =	stream.indirect_vreg.gather [hbm:s4], $0x80, v0, vm1, $0x38;
	[tilespmem:$0xC990] =	vst v63  }
0x3b: {  	s17 =	sshrl.u32 s19, $0x2;
	s19 =	smov.u32 s14;
	v0 =	vld.msk [tilespmem:s20+$0x0 ss:$0x1], $0xffff;
	s20 =	simm.s32 $0x80  }
.LBB2_3:
0x3c: {  	p1 =	sne.s32 s20, $0x2C0;
	_ =	sdelay $0x4  }
0x3d: {  	vm2 =	vgt.s32 v0, $0x0  }
0x3e: {  	v0 =	vnsel vm2, $0x0, v0  }
0x3f: {  	v0 =	vmin.u32 v0, $0x8FFF  }
0x40: {  	v0 =	vshll.u32 v0, $0x4;
	_ =	sdelay $0x3  }
.Ltmp3:
0x41: {  	s21 =	sshra.s32 s20, $0x2;
	s19 =	sadd.s32 $0x800, s19;
	(pc) =	sbr.rel @p1 .LBB2_3-.Ltmp3, $4  }
0x42: {  	[tilespmem:s19], [sflag:$0x1] =	stream.indirect_vreg.gather [hbm:s4], $0x80, v0, vm0, $0x38;
	[tilespmem:$0xC990] =	vst v63  }
0x43: {  	s21 =	sadd.s32 s21, s16;
	s22 =	sadd.s32 $0x400, s19  }
0x44: {  	[tilespmem:s22], [sflag:$0x1] =	stream.indirect_vreg.gather [hbm:s4], $0x80, v0, vm1, $0x38;
	[tilespmem:$0xC990] =	vst v63  }
0x45: {  	s20 =	sadd.s32 $0x40, s20;
	v0 =	vld.msk [tilespmem:s21+$0x0 ss:$0x1], $0xffff  }
0x46: {  	_ =	sdelay $0x3  }
0x47: {  	vm2 =	vgt.s32 v0, $0x0  }
0x48: {  	v0 =	vnsel vm2, $0x0, v0  }
0x49: {  	v0 =	vmin.u32 v0, $0x8FFF  }
0x4a: {  	v0 =	vshll.u32 v0, $0x4;
	_ =	sdelay $0x3  }
0x4b: {  	s16 =	sadd.s32 $0x800, s19  }
0x4c: {  	[tilespmem:s16], [sflag:$0x1] =	stream.indirect_vreg.gather [hbm:s4], $0x80, v0, vm0, $0x38;
	[tilespmem:$0xC990] =	vst v63  }
0x4d: {  	s16 =	sadd.s32 $0x400, s16  }
0x4e: {  	[tilespmem:s16], [sflag:$0x1] =	stream.indirect_vreg.gather [hbm:s4], $0x80, v0, vm1, $0x38;
	[tilespmem:$0xC990] =	vst v63  }
0x4f: {  	v0 =	vld.msk [tilespmem:s18+$0xC0 ss:$0x1], $0xff;
	_ =	sdelay $0x4  }
0x50: {  	vm2 =	vgt.s32 v0, $0x0  }
0x51: {  	v0 =	vnsel vm2, $0x0, v0  }
0x52: {  	v0 =	vmin.u32 v0, $0x8FFF  }
0x53: {  	v0 =	vshll.u32 v0, $0x4;
	_ =	sdelay $0x3  }
0x54: {  	s31 =	sadd.s32 $0x6190, s17  }
0x55: {  	[tilespmem:s31], [sflag:$0x1] =	stream.indirect_vreg.gather [hbm:s4], $0x80, v0, vm0, $0x38;
	[tilespmem:$0xC990] =	vst v63  }
0x56: {  	s13 =	sshll.u32 s13, $0x4;
	_ =	swait.ge [sflag:s6], $0x6400  }
0x57: {  	s13 =	sadd.s32 s13, s9;
	[sflag:s6] =	ssyncset.done $0x0  }
0x58: {  	s17 =	sadd.s32 $0x0, s13;
	s16 =	simm.s32 $0x80;
	[sflag:s6] =	ssyncadd.s32 $0xFFFF9C00  }
.LBB2_5:
0x59: {  	[hbm:s17] =	stream.linear.scatter [tilespmem:s14], [sflag:$0x3], $0x400, $0x38;
	[tilespmem:$0xC990] =	vst v63  }
0x5a: {  	s17 =	smov.u32 s16;
	s14 =	smov.u32 s15;
	p1 =	sne.s32 s16, $0xC00  }
.Ltmp4:
0x5b: {  	s16 =	sadd.s32 $0x80, s16;
	(pc) =	sbr.rel @p1 .LBB2_5-.Ltmp4, $2  }
0x5c: {  	_ =	sdelay $0x2  }
0x5d: {  	s15 =	sadd.s32 $0x400, s15;
	s17 =	sadd.s32 s17, s13  }
.Ltmp5:
0x5e: {  	_ = 	snop;
	(pc) =	sbr.rel .LBB2_6-.Ltmp5, $1  }
0x5f: {  	_ =	sdelay $0x3  }
.LBB2_8:
0x60: {  	_ =	sfence.sel $0x180000  }
0x61: {  	s1 =	simm.s32 $0x2;
	[bflag:$0x0] =	sbarrier.arrive $0xFFFF  }
0x62: {  	s30 =	simm.s32 $0x3;
	[sflag:s1] =	ssyncpa.u1 $0x1  }
0x63: {  	s31 =	simm.s32 $0x1;
	[sflag:s30] =	ssyncpa.u1 $0x1  }
0x64: {  	[sflag:s31] =	ssyncpa.u1 $0x1  }
0x65: {  	p0 =	sne.s32 s0, $0x0;
	_ =	strace $0x9000004A  }
0x66: {  	s0 =	sadd.s32 @!p0 $0x100000, s2;
	[bflag:$0x2] =	sbarrier.arrive $0xFFFF  }
0x67: {  	[sflag:s0] =	ssyncadd.tile.s32 @!p0 $0x1;
	_ =	shalt  }
.Lfunc_end2:
_tile_overlayer_lowered:
.L_overlay_start_2:
0x68: {  	(tag) =	ssettag $0x2  }
0x69: {  	s0 =	rddreg [dreg:$0x0];
	s2 =	stileid.u32  }
0x6a: {  	s1 =	rddreg [dreg:$0x1];
	p0 =	sne.s32 s2, $0x0  }
0x6b: {  	s3 =	rddreg [dreg:$0x2];
	[bflag:$0x3] =	sbarrier.arrive $0xFFFF;
	s2 =	simm.s32 @!p0 $0x1C01  }
0x6c: {  	[timem:s3], [sflag:s2] =	dma.local @!p0 [hbm:s0], s1  }
0x6d: {  	s0 =	simm.s32 @!p0 $0x1  }
0x6e: {  	_ =	swait.ge @!p0 [sflag:s0], s1  }
0x6f: {  	s1 =	ssub.s32 @!p0 $0x0, s1;
	[sflag:s0] =	ssyncset.done @!p0 $0x0  }
0x70: {  	[sflag:s0] =	ssyncadd.s32 @!p0 s1  }
0x71: {  	[bflag:$0x3] =	sbarrier.arrive $0xFFFF  }
0x72: {  	_ =	shalt  }

// kernel: gather_offload_async_start
scs
__scs_entry_jumppad:
0x0: {  	(pc) =	sbr.rel $0x88, $3  }
0x1: {  	(tag) =	ssettag $0x0;
	lr =	simm.s32 $0x1  }
0x2: {  	[smem:$0x3F99] =	sst lr;
	_ =	strace $0xD0000000  }
0x3: {  	_ = 	snop  }
0x4: {  	_ = 	snop  }
0x5: {  	_ = 	snop  }
0x6: {  	_ = 	snop  }
0x7: {  	_ = 	snop  }
__scs_overlays_trampoline_lowered:
0x8: {  	[smem:$0x3FA8] =	sst s0  }
0x9: {  	[smem:$0x3FA9] =	sst s1  }
0xa: {  	[smem:$0x3FAA] =	sst s2  }
0xb: {  	[smem:$0x3FAB] =	sst s3  }
0xc: {  	[smem:$0x3FAC] =	sst s4  }
0xd: {  	[smem:$0x3FAD] =	sst s5  }
0xe: {  	[smem:$0x3FAE] =	sst s6  }
0xf: {  	[smem:$0x3FAF] =	sst s7  }
0x10: {  	[smem:$0x3FB0] =	sst s8  }
0x11: {  	[smem:$0x3FB1] =	sst s9;
	s0 =	simm.s32 @!p0 $0x0  }
0x12: {  	s1 =	sld [smem:$0x3F97];
	s0 =	simm.s32 @p0 $0x1  }
0x13: {  	[smem:$0x3FB2] =	sst s0;
	s0 =	simm.s32 @!p1 $0x0  }
0x14: {  	s2 =	sld [smem:$0x3F96];
	s0 =	simm.s32 @p1 $0x1  }
0x15: {  	[smem:$0x3FB3] =	sst s0;
	s0 =	simm.s32 @!p2 $0x0  }
0x16: {  	s3 =	sld [smem:$0x3FDB];
	s0 =	simm.s32 @p2 $0x1  }
0x17: {  	s4 =	simm.s32 $0x1BF5;
	[smem:$0x3FB5] =	sst s0  }
0x18: {  	s0 =	sld [smem:$0x3F98];
	_ =	swait.ge [sflag:s4], $0x0  }
0x19: {  	s7 =	sld [smem:$0x3F99]  }
0x1a: {  	s8 =	sadd.s32 $0xFFFFE003, lr  }
0x1b: {  	s9 =	sadd.s32 $0xFFFFFEF7, lr;
	s5 =	simm.s32 $0xFFFFFFFF;
	p2 =	slt.u32 s8, $0xFFFFF086  }
0x1c: {  	p1 =	slt.u32 s9, $0xF7A;
	s5 =	simm.s32 @!p2 $0x0  }
0x1d: {  	s5 =	simm.s32 @p1 $0x1;
	p0 =	seq.s32 s7, s2  }
0x1e: {  	s7 =	smul.u32 @!p0 $0xF7A, s2;
	p2 =	seq.s32 @!p0 s5, $0x0  }
0x1f: {  	s9 =	smul.u32 $0xF7A, s1;
	s8 =	simm.s32 @!p0 $0x1BF5;
	p2 =	por !p2, p0  }
0x20: {  	[sflag:s8] =	ssyncset.s32 @!p0 $0xFFFFF086;
	s6 =	sadd.s32 @!p0 s3, s7;
	s7 =	simm.s32 @!p0 $0x108  }
0x21: {  	s3 =	sadd.s32 s3, s9;
	s6 =	sadd.s32 @!p0 $0x88, s6;
	s7 =	simm.s32 @p2 $0x1082  }
0x22: {  	[simem:s7], [sflag:s8] =	dma.local @!p0 [hbm:s6], $0xF7A  }
0x23: {  	s9 =	sor.u32 $0xD0000000, s2;
	s6 =	simm.s32 $0x108;
	_ =	swait.ge @!p0 [sflag:s8], $0x0  }
0x24: {  	s3 =	sadd.s32 $0x88, s3;
	s6 =	simm.s32 @!p1 $0x1082;
	[sflag:s4] =	ssyncset.s32 $0xFFFFF086  }
0x25: {  	[simem:s6], [sflag:s4] =	dma.local [hbm:s3], $0xF7A  }
0x26: {  	[smem:$0x3F99] =	sst s1;
	(tag) =	ssettag s2;
	_ =	strace s9  }
0x27: {  	s1 =	sld [smem:$0x3FA9]  }
0x28: {  	s2 =	sld [smem:$0x3FAA]  }
0x29: {  	s4 =	sld [smem:$0x3FAC]  }
0x2a: {  	p0 =	seq.s32 s5, $0x0;
	s5 =	sld [smem:$0x3FAD]  }
0x2b: {  	s6 =	sld [smem:$0x3FAE]  }
0x2c: {  	s7 =	sld [smem:$0x3FAF]  }
0x2d: {  	s3 =	simm.s32 $0x108;
	s8 =	sld [smem:$0x3FB0]  }
0x2e: {  	s3 =	simm.s32 @!p0 $0x1082;
	s9 =	sld [smem:$0x3FB1]  }
0x2f: {  	lr =	sadd.s32 s0, s3;
	s0 =	sld [smem:$0x3FA8]  }
0x30: {  	s3 =	sld [smem:$0x3FAB]  }
0x31: {  	[smem:$0x3FB4] =	sst s10  }
0x32: {  	s10 =	sld [smem:$0x3FB2];
	_ =	sdelay $0x3  }
0x33: {  	p0 =	seq.s32 s10, $0x1;
	s10 =	sld [smem:$0x3FB4];
	_ =	sdelay $0x3  }
0x34: {  	[smem:$0x3FB4] =	sst s10  }
0x35: {  	s10 =	sld [smem:$0x3FB3];
	_ =	sdelay $0x3  }
0x36: {  	p1 =	seq.s32 s10, $0x1;
	s10 =	sld [smem:$0x3FB4];
	_ =	sdelay $0x3  }
0x37: {  	[smem:$0x3FB4] =	sst s10  }
0x38: {  	s10 =	sld [smem:$0x3FB5]  }
0x39: {  	_ = 	snop;
	(pc) =	sbr.ind lr, $3  }
0x3a: {  	_ = 	snop  }
0x3b: {  	_ = 	snop  }
0x3c: {  	p2 =	seq.s32 s10, $0x1;
	s10 =	sld [smem:$0x3FB4]  }
0x3d: {  	_ =	shalt  }
0x3e: {  	_ =	shalt  }
0x3f: {  	_ =	shalt  }
0x40: {  	_ =	shalt  }
0x41: {  	_ =	shalt  }
0x42: {  	_ =	shalt  }
0x43: {  	_ =	shalt  }
0x44: {  	_ =	shalt  }
0x45: {  	_ =	shalt  }
0x46: {  	_ =	shalt  }
0x47: {  	_ =	shalt  }
0x48: {  	_ =	shalt  }
0x49: {  	_ =	shalt  }
0x4a: {  	_ =	shalt  }
0x4b: {  	_ =	shalt  }
0x4c: {  	_ =	shalt  }
0x4d: {  	_ =	shalt  }
0x4e: {  	_ =	shalt  }
0x4f: {  	_ =	shalt  }
0x50: {  	_ =	shalt  }
0x51: {  	_ =	shalt  }
0x52: {  	_ =	shalt  }
0x53: {  	_ =	shalt  }
0x54: {  	_ =	shalt  }
0x55: {  	_ =	shalt  }
0x56: {  	_ =	shalt  }
0x57: {  	_ =	shalt  }
0x58: {  	_ =	shalt  }
0x59: {  	_ =	shalt  }
0x5a: {  	_ =	shalt  }
0x5b: {  	_ =	shalt  }
0x5c: {  	_ =	shalt  }
0x5d: {  	_ =	shalt  }
0x5e: {  	_ =	shalt  }
0x5f: {  	_ =	shalt  }
0x60: {  	_ =	shalt  }
0x61: {  	_ =	shalt  }
0x62: {  	_ =	shalt  }
0x63: {  	_ =	shalt  }
0x64: {  	_ =	shalt  }
0x65: {  	_ =	shalt  }
0x66: {  	_ =	shalt  }
0x67: {  	_ =	shalt  }
0x68: {  	_ =	shalt  }
0x69: {  	_ =	shalt  }
0x6a: {  	_ =	shalt  }
0x6b: {  	_ =	shalt  }
0x6c: {  	_ =	shalt  }
0x6d: {  	_ =	shalt  }
0x6e: {  	_ =	shalt  }
0x6f: {  	_ =	shalt  }
0x70: {  	_ =	shalt  }
0x71: {  	_ =	shalt  }
0x72: {  	_ =	shalt  }
0x73: {  	_ =	shalt  }
0x74: {  	_ =	shalt  }
0x75: {  	_ =	shalt  }
0x76: {  	_ =	shalt  }
0x77: {  	_ =	shalt  }
0x78: {  	_ =	shalt  }
0x79: {  	_ =	shalt  }
0x7a: {  	_ =	shalt  }
0x7b: {  	_ =	shalt  }
0x7c: {  	_ =	shalt  }
0x7d: {  	_ =	shalt  }
0x7e: {  	_ =	shalt  }
0x7f: {  	_ =	shalt  }
0x80: {  	_ =	shalt  }
0x81: {  	_ =	shalt  }
0x82: {  	_ =	shalt  }
0x83: {  	_ =	shalt  }
0x84: {  	_ =	shalt  }
0x85: {  	_ =	shalt  }
0x86: {  	_ =	shalt  }
0x87: {  	_ =	shalt  }
.Lfunc_end0:
.L_simem_size_0:
called_computation_lowered:
.L_overlay_start_0:
0x88: {  	s0 =	sld [smem:$0x3FD9]  }
0x89: {  	s1 =	sld [smem:$0x3FFE];
	_ =	sdelay $0x3  }
0x8a: {  	s0 =	sadd.s32 s1, s0  }
0x8b: {  	[smem:$0x3FC0] =	sst s0  }
0x8c: {  	_ = 	snop  }
0x8d: {  	(tm) =	ssettm $0x1  }
0x8e: {  	s15 =	sld [smem:$0x3FFB];
	_ =	sdelay $0x3  }
0x8f: {  	_ =	strace s15  }
0x90: {  	s0 =	sld [smem:$0x3FFC];
	_ =	sdelay $0x3  }
0x91: {  	_ =	strace s0  }
0x92: {  	s0 =	sld [smem:$0x3FFD];
	_ =	sdelay $0x3  }
0x93: {  	_ =	strace s0  }
0x94: {  	_ =	strace $0x8FFFFFFF  }
0x95: {  	s16 =	sld [smem:$0x3FDB];
	_ =	sdelay $0x1  }
0x96: {  	s17 =	simm.s32 $_scs_section_size  }
0x97: {  	s2 =	simm.s32 $_size__tile_overlayer_lowered;
	s3 =	simm.s32 $_tile_overlayer_lowered  }
0x98: {  	s20 =	simm.s32 $0x1BFF;
	s19 =	sshll.u32 s3, $0x1;
	s0 =	sadd.s32 s17, s16  }
0x99: {  	s4 =	simm.s32 $0x0;
	s18 =	sshll.u32 s2, $0x1;
	s2 =	sadd.s32 s19, s0  }
0x9a: {  	[timem:s4], [sflag:s20] =	dma.local [hbm:s2], s18  }
0x9b: {  	_ =	swait.ge [sflag:s20], s18  }
0x9c: {  	s1 =	ssub.s32 $0x0, s18;
	[sflag:s20] =	ssyncset.done $0x0  }
0x9d: {  	[sflag:s20] =	ssyncadd.s32 s1;
	_ =	sdelay $0x1  }
0x9e: {  	s21 =	simm.s32 $0x1B8B  }
0x9f: {  	_ =	swait.ge [sflag:s21], $0x1  }
0xa0: {  	[sflag:s21] =	ssyncset.done $0x0  }
0xa1: {  	s23 =	simm.s32 $0x1B8E;
	s22 =	sld [smem:$0x3FFE];
	[sflag:s21] =	ssyncadd.s32 $0xFFFFFFFF  }
0xa2: {  	s24 =	simm.s32 $execute0_lowered;
	[smem:$0x3FD2] =	sst s23  }
0xa3: {  	s2 =	sshll.u32 s24, $0x1;
	_ =	strace $0x80000046;
	[dreg:$0x1] =	wrdreg $0xFFFFFFFF  }
0xa4: {  	s25 =	simm.s32 $_size_execute0_lowered;
	s0 =	sadd.s32 s0, s2;
	[dreg:$0x0] =	wrdreg $0x0  }
0xa5: {  	s2 =	sshll.u32 s25, $0x1;
	[dreg:$0x2] =	wrdreg s0  }
0xa6: {  	[dreg:$0x3] =	wrdreg s2  }
0xa7: {  	[dreg:$0x4] =	wrdreg $0xC0  }
0xa8: {  	_ =	task [dreg:s4], $0x5FFFF  }
0xa9: {  	[dreg:$0x1] =	wrdreg $0xFFFFFFFF  }
0xaa: {  	[dreg:$0x0] =	wrdreg $0x60  }
0xab: {  	[dreg:$0x2] =	wrdreg s22  }
0xac: {  	[dreg:$0x3] =	wrdreg $0x9  }
0xad: {  	_ =	task.clear_ibuf [dreg:s4], $0x4FFFF;
	_ =	strace $0x90000046  }
0xae: {  	s26 =	simm.s32 $0x9;
	_ =	strace $0x80000048  }
0xaf: {  	_ =	swait.ge [sflag:s26], $0x1  }
0xb0: {  	[sflag:s26] =	ssyncadd.s32 $0xFFFFFFFF  }
0xb1: {  	_ =	strace $0x90000048  }
0xb2: {  	_ =	sfence  }
0xb3: {  	s28 =	sld [smem:$0x0];
	_ =	sdelay $0x1  }
0xb4: {  	s29 =	srdreg.scid  }
0xb5: {  	s30 =	sshll.u32 s29, $0xD;
	s31 =	sshrl.u32 s29, $0x2  }
0xb6: {  	s1 =	sand.u32 $0x1, s29;
	s2 =	sand.u32 $0x4000, s30;
	s0 =	sadd.s32 s31, s28  }
0xb7: {  	s1 =	sor.u32 s2, s1;
	s0 =	sshll.u32 s0, $0x11  }
0xb8: {  	s0 =	sor.u32 s0, s1  }
0xb9: {  	s0 =	sadd.s32 $0x8F2B, s0  }
0xba: {  	[sflag:s0] =	ssyncadd.remote.s32 $0x1  }
0xbb: {  	_ =	sfence.sel $0xFFFF  }
0xbc: {  	[dreg:$0x0] =	wrdreg $0xFFFFFFFF;
	(pc) =	sbr.abs _section_cstart, $3  }
0xbd: {  	[dreg:$0x1] =	wrdreg $0xFFFFFFFF  }
0xbe: {  	_ =	task.clear_ibuf [dreg:s4], $0x2FFFF;
	_ =	strace $0x9FFFFFFF  }
0xbf: {  	(tm) =	ssettm $0x7FFFFFFF  }
tec
execute0_lowered:
.L_overlay_start_1:
0x0: {  	(tag) =	ssettag $0x1  }
0x1: {  	s0 =	stileid.u32  }
0x2: {  	s1 =	smin.u32 s0, $0xE  }
0x3: {  	s1 =	sadd.s32 s0, s1  }
0x4: {  	s2 =	simm.s32 $0x190;
	p0 =	slt.u32 s0, $0xE;
	s1 =	smul.u32 $0xC8, s1  }
0x5: {  	s2 =	simm.s32 @!p0 $0xC8  }
0x6: {  	s2 =	sadd.s32 s2, s1  }
0x7: {  	s3 =	smin.u32 s2, $0x1770  }
0x8: {  	s7 =	ssub.s32 s3, s1  }
0x9: {  	p0 =	sgt.s32 s7, $0x0  }
0xa: {  	s7 =	simm.s32 @!p0 $0x0  }
0xb: {  	s31 =	sand.u32 $0xFFF8, s7  }
0xc: {  	s2 =	sshrl.u32 s31, $0x3  }
0xd: {  	s2 =	smul.u32 $0x147B, s2  }
0xe: {  	s9 =	rddreg [dreg:$0x0];
	s6 =	simm.s32 $0x1;
	s11 =	simm.s32 $0x3  }
0xf: {  	s13 =	simm.s32 $0x0;
	s12 =	simm.s32 $0x0;
	s8 =	sshrl.u32 s2, $0x11  }
0x10: {  	s4 =	sadd.s32 $0x800, s9;
	s5 =	sadd.s32 $0x400, s9;
	s10 =	smul.u32 $0xC8, s8  }
.Ltmp0:
0x11: {  	s9 =	sadd.s32 $0x90800, s9;
	s2 =	rddreg [dreg:$0x1];
	(pc) =	sbr.rel .LBB2_1-.Ltmp0, $4  }
0x12: {  	_ =	strace $0x80000047;
	p0 =	sne.s32 s7, s10;
	s10 =	simm.s32 $0x1  }
0x13: {  	[sflag:s6] =	ssyncpa.u1 $0x0;
	s7 =	simm.s32 $0x2;
	s10 =	simm.s32 @!p0 $0x0  }
0x14: {  	[sflag:s7] =	ssyncpa.u1 $0x0;
	p0 =	por $0x0, $0x0;
	s8 =	sadd.s32 s8, s10  }
0x15: {  	vm0 =	vmmov $0xff;
	vm1 =	vcmask $0x3F20;
	[sflag:s11] =	ssyncpa.u1 $0x0;
	s11 =	smov.u32 s1;
	s10 =	sadd.s32 $0x1, s8  }
.LBB2_6:
0x16: {  	[hbm:s17] =	stream.linear.scatter [tilespmem:s14], [sflag:$0x3], $0x400, $0x38;
	[tilespmem:$0xC990] =	vst v63  }
.LBB2_7:
0x17: {  	s13 =	sadd.s32 $0xC8, s11  }
0x18: {  	s15 =	smov.u32 s1;
	p2 =	slt.s32 s13, s3  }
0x19: {  	s15 =	smov.u32 @p2 s13;
	p2 =	sne.s32 s12, s10  }
.Ltmp1:
0x1a: {  	p1 =	slt.u32 s12, $0x2;
	(pc) =	sbr.rel @!p2 .LBB2_8-.Ltmp1, $4  }
0x1b: {  	s14 =	simm.s32 @!p1 $0x3  }
0x1c: {  	s16 =	sadd.s32 $0x1, s12;
	_ =	swait.ge @!p1 [sflag:s14], $0x6400  }
0x1d: {  	p0 =	por !p0, !p0;
	s13 =	smov.u32 s11;
	[sflag:s14] =	ssyncset.done @!p1 $0x0  }
0x1e: {  	s12 =	smov.u32 s16;
	s11 =	smov.u32 s15;
	[sflag:s14] =	ssyncadd.s32 @!p1 $0xFFFF9C00  }
.LBB2_1:
0x1f: {  	p1 =	sge.u32 s12, s8  }
0x20: {  	s14 =	sxor.u32 @!p1 $0xFFFFFFFF, s12  }
0x21: {  	s14 =	sand.u32 @!p1 $0x1, s14  }
0x22: {  	s14 =	smul.u32 @!p1 $0x320, s14  }
0x23: {  	s31 =	sadd.s32 $0xFFFFFFFF, s12;
	s15 =	sshrl.u32 @!p1 s11, $0x3  }
0x24: {  	s16 =	sand.u32 @!p1 $0x7, s11;
	s15 =	sadd.s32 @!p1 s5, s15;
	s14 =	sshrl.u32 @!p1 s14, $0x2  }
0x25: {  	[tilespmem:s14], [sflag:$0x2] =	stream.linear.gather @!p1 [hbm4b:s15+s16], $0xC8, $0x38;
	[tilespmem:$0xC990] =	vst v63  }
0x26: {  	p1 =	sge.u32 s31, s8  }
.Ltmp2:
0x27: {  	_ = 	snop;
	(pc) =	sbr.rel @p1 .LBB2_7-.Ltmp2, $1  }
0x28: {  	_ =	sdelay $0x3  }
0x29: {  	s14 =	simm.s32 $0x1  }
0x2a: {  	s14 =	simm.s32 @!p0 $0x0  }
0x2b: {  	s15 =	smul.u32 $0x320, s14  }
0x2c: {  	_ =	swait.ge [sflag:s7], $0xC8  }
0x2d: {  	[sflag:s7] =	ssyncset.done $0x0;
	s16 =	sshrl.u32 s15, $0x2  }
0x2e: {  	[sflag:s7] =	ssyncadd.s32 $0xFFFFFF38;
	s15 =	sadd.s32 $0x0, s16  }
0x2f: {  	v0 =	vld.msk [tilespmem:s15+$0x0 ss:$0x1], $0xffff;
	_ =	sdelay $0x4  }
0x30: {  	vm2 =	vgt.s32 v0, $0x0  }
0x31: {  	v0 =	vnsel vm2, $0x0, v0  }
0x32: {  	v0 =	vmin.u32 v0, $0x8FFF  }
0x33: {  	v0 =	vshll.u32 v0, $0x4  }
0x34: {  	s14 =	smul.u32 $0x19000, s14  }
0x35: {  	s31 =	sand.u32 $0x1, s12  }
0x36: {  	s17 =	smul.u32 $0x320, s31;
	s14 =	sshrl.u32 s14, $0x2  }
0x37: {  	s19 =	smul.u32 $0x19000, s31;
	s14 =	sor.u32 $0x190, s14  }
0x38: {  	[tilespmem:s14], [sflag:$0x1] =	stream.indirect_vreg.gather [hbm:s4], $0x80, v0, vm0, $0x38;
	[tilespmem:$0xC990] =	vst v63  }
0x39: {  	s18 =	sshrl.u32 s17, $0x2;
	s20 =	sadd.s32 $0x10, s16;
	s15 =	sadd.s32 $0x400, s14  }
0x3a: {  	[tilespmem:s15], [sflag:$0x1] =	stream.indirect_vreg.gather [hbm:s4], $0x80, v0, vm1, $0x38;
	[tilespmem:$0xC990] =	vst v63  }
0x3b: {  	s17 =	sshrl.u32 s19, $0x2;
	s19 =	smov.u32 s14;
	v0 =	vld.msk [tilespmem:s20+$0x0 ss:$0x1], $0xffff;
	s20 =	simm.s32 $0x80  }
.LBB2_3:
0x3c: {  	p1 =	sne.s32 s20, $0x2C0;
	_ =	sdelay $0x4  }
0x3d: {  	vm2 =	vgt.s32 v0, $0x0  }
0x3e: {  	v0 =	vnsel vm2, $0x0, v0  }
0x3f: {  	v0 =	vmin.u32 v0, $0x8FFF  }
0x40: {  	v0 =	vshll.u32 v0, $0x4;
	_ =	sdelay $0x3  }
.Ltmp3:
0x41: {  	s21 =	sshra.s32 s20, $0x2;
	s19 =	sadd.s32 $0x800, s19;
	(pc) =	sbr.rel @p1 .LBB2_3-.Ltmp3, $4  }
0x42: {  	[tilespmem:s19], [sflag:$0x1] =	stream.indirect_vreg.gather [hbm:s4], $0x80, v0, vm0, $0x38;
	[tilespmem:$0xC990] =	vst v63  }
0x43: {  	s21 =	sadd.s32 s21, s16;
	s22 =	sadd.s32 $0x400, s19  }
0x44: {  	[tilespmem:s22], [sflag:$0x1] =	stream.indirect_vreg.gather [hbm:s4], $0x80, v0, vm1, $0x38;
	[tilespmem:$0xC990] =	vst v63  }
0x45: {  	s20 =	sadd.s32 $0x40, s20;
	v0 =	vld.msk [tilespmem:s21+$0x0 ss:$0x1], $0xffff  }
0x46: {  	_ =	sdelay $0x3  }
0x47: {  	vm2 =	vgt.s32 v0, $0x0  }
0x48: {  	v0 =	vnsel vm2, $0x0, v0  }
0x49: {  	v0 =	vmin.u32 v0, $0x8FFF  }
0x4a: {  	v0 =	vshll.u32 v0, $0x4;
	_ =	sdelay $0x3  }
0x4b: {  	s16 =	sadd.s32 $0x800, s19  }
0x4c: {  	[tilespmem:s16], [sflag:$0x1] =	stream.indirect_vreg.gather [hbm:s4], $0x80, v0, vm0, $0x38;
	[tilespmem:$0xC990] =	vst v63  }
0x4d: {  	s16 =	sadd.s32 $0x400, s16  }
0x4e: {  	[tilespmem:s16], [sflag:$0x1] =	stream.indirect_vreg.gather [hbm:s4], $0x80, v0, vm1, $0x38;
	[tilespmem:$0xC990] =	vst v63  }
0x4f: {  	v0 =	vld.msk [tilespmem:s18+$0xC0 ss:$0x1], $0xff;
	_ =	sdelay $0x4  }
0x50: {  	vm2 =	vgt.s32 v0, $0x0  }
0x51: {  	v0 =	vnsel vm2, $0x0, v0  }
0x52: {  	v0 =	vmin.u32 v0, $0x8FFF  }
0x53: {  	v0 =	vshll.u32 v0, $0x4;
	_ =	sdelay $0x3  }
0x54: {  	s31 =	sadd.s32 $0x6190, s17  }
0x55: {  	[tilespmem:s31], [sflag:$0x1] =	stream.indirect_vreg.gather [hbm:s4], $0x80, v0, vm0, $0x38;
	[tilespmem:$0xC990] =	vst v63  }
0x56: {  	s13 =	sshll.u32 s13, $0x4;
	_ =	swait.ge [sflag:s6], $0x6400  }
0x57: {  	s13 =	sadd.s32 s13, s9;
	[sflag:s6] =	ssyncset.done $0x0  }
0x58: {  	s17 =	sadd.s32 $0x0, s13;
	s16 =	simm.s32 $0x80;
	[sflag:s6] =	ssyncadd.s32 $0xFFFF9C00  }
.LBB2_5:
0x59: {  	[hbm:s17] =	stream.linear.scatter [tilespmem:s14], [sflag:$0x3], $0x400, $0x38;
	[tilespmem:$0xC990] =	vst v63  }
0x5a: {  	s17 =	smov.u32 s16;
	s14 =	smov.u32 s15;
	p1 =	sne.s32 s16, $0xC00  }
.Ltmp4:
0x5b: {  	s16 =	sadd.s32 $0x80, s16;
	(pc) =	sbr.rel @p1 .LBB2_5-.Ltmp4, $2  }
0x5c: {  	_ =	sdelay $0x2  }
0x5d: {  	s15 =	sadd.s32 $0x400, s15;
	s17 =	sadd.s32 s17, s13  }
.Ltmp5:
0x5e: {  	_ = 	snop;
	(pc) =	sbr.rel .LBB2_6-.Ltmp5, $1  }
0x5f: {  	_ =	sdelay $0x3  }
.LBB2_8:
0x60: {  	_ =	sfence.sel $0x180000  }
0x61: {  	s1 =	simm.s32 $0x2;
	[bflag:$0x0] =	sbarrier.arrive $0xFFFF  }
0x62: {  	s30 =	simm.s32 $0x3;
	[sflag:s1] =	ssyncpa.u1 $0x1  }
0x63: {  	s31 =	simm.s32 $0x1;
	[sflag:s30] =	ssyncpa.u1 $0x1  }
0x64: {  	[sflag:s31] =	ssyncpa.u1 $0x1  }
0x65: {  	p0 =	sne.s32 s0, $0x0;
	_ =	strace $0x90000047  }
0x66: {  	s0 =	sadd.s32 @!p0 $0x100000, s2;
	[bflag:$0x2] =	sbarrier.arrive $0xFFFF  }
0x67: {  	[sflag:s0] =	ssyncadd.tile.s32 @!p0 $0x1;
	_ =	shalt  }
.Lfunc_end2:
_tile_overlayer_lowered:
.L_overlay_start_2:
0x68: {  	(tag) =	ssettag $0x2  }
0x69: {  	s0 =	rddreg [dreg:$0x0];
	s2 =	stileid.u32  }
0x6a: {  	s1 =	rddreg [dreg:$0x1];
	p0 =	sne.s32 s2, $0x0  }
0x6b: {  	s3 =	rddreg [dreg:$0x2];
	[bflag:$0x3] =	sbarrier.arrive $0xFFFF;
	s2 =	simm.s32 @!p0 $0x1C01  }
0x6c: {  	[timem:s3], [sflag:s2] =	dma.local @!p0 [hbm:s0], s1  }
0x6d: {  	s0 =	simm.s32 @!p0 $0x1  }
0x6e: {  	_ =	swait.ge @!p0 [sflag:s0], s1  }
0x6f: {  	s1 =	ssub.s32 @!p0 $0x0, s1;
	[sflag:s0] =	ssyncset.done @!p0 $0x0  }
0x70: {  	[sflag:s0] =	ssyncadd.s32 @!p0 s1  }
0x71: {  	[bflag:$0x3] =	sbarrier.arrive $0xFFFF  }
0x72: {  	_ =	shalt  }

</sc_bundles>
